<compile_context>
chip_gen: v7x
topology: tpu7x:2x2x1
jax: 0.10.2.dev20260603
libtpu: 0.0.44.dev20260713+nightly
codegen_flags: <defaults>
</compile_context>

<pallas_src>
import functools

import jax
import jax.numpy as jnp
import numpy as np
from jax import lax
from jax.experimental import pallas as pl
from jax.experimental.pallas import tpu as pltpu
from jax.experimental.pallas import tpu_sc as plsc

N_NODES = 10000
N_EDGES = 320000
D = 128
H = 8
HD = 16

NW = 32
EPW = N_EDGES // NW
B = 80
NCHUNK = EPW // B
ROWS_PER_SUB = N_NODES // 16


def _matmul_bias_body(x_ref, w_ref, b_ref, o_ref):
    o_ref[...] = (
        jnp.dot(x_ref[...], w_ref[...], preferred_element_type=jnp.float32)
        + b_ref[...]
    )


def _matmul_bias(x, w, b, block_rows):
    rows, kdim = x.shape
    cols = w.shape[1]
    grid = rows // block_rows
    return pl.pallas_call(
        _matmul_bias_body,
        grid=(grid,),
        in_specs=[
            pl.BlockSpec((block_rows, kdim), lambda i: (i, 0)),
            pl.BlockSpec((kdim, cols), lambda i: (0, 0)),
            pl.BlockSpec((1, cols), lambda i: (0, 0)),
        ],
        out_specs=pl.BlockSpec((block_rows, cols), lambda i: (i, 0)),
        out_shape=jax.ShapeDtypeStruct((rows, cols), jnp.float32),
    )(x, w, b.reshape(1, cols))


def _sc_body(src_hbm, dst_hbm, kh_hbm, qh_hbm, pe_hbm,
             eout_hbm, zout_hbm,
             sidx, didx, kbuf, qbuf, pebuf, ebuf, zbuf, zrows, zsh,
             semk, semq, seme):
    cid = lax.axis_index("c")
    sid = lax.axis_index("s")
    wid = cid * 16 + sid

    def zrow_body(i, _):
        zrows[i, :] = jnp.zeros((16,), jnp.float32)
        return 0
    lax.fori_loop(0, 125, zrow_body, 0)

    def zcopy_body(j, _):
        pltpu.sync_copy(zrows, zsh.at[pl.ds(sid * ROWS_PER_SUB + j * 125, 125)])
        return 0
    lax.fori_loop(0, 5, zcopy_body, 0)

    plsc.subcore_barrier()

    lane = lax.iota(jnp.int32, 16)
    onehot = [
        jnp.where(lane == hh, 1.0, 0.0).astype(jnp.float32) for hh in range(H)
    ]

    def chunk_body(c, _):
        base = wid * EPW + c * B
        pltpu.sync_copy(src_hbm.at[pl.ds(base, B)], sidx)
        pltpu.sync_copy(dst_hbm.at[pl.ds(base, B)], didx)
        cpk = pltpu.async_copy(kh_hbm.at[sidx], kbuf, semk)
        cpq = pltpu.async_copy(qh_hbm.at[didx], qbuf, semq)
        cpe = pltpu.async_copy(pe_hbm.at[pl.ds(base, B), :], pebuf, seme)
        cpk.wait()
        cpq.wait()
        cpe.wait()

        def edge_body(i, _):
            row = jnp.zeros((16,), jnp.float32)
            for hh in range(H):
                sl = pl.ds(hh * HD, HD)
                s = kbuf[i, sl] * qbuf[i, sl] * 0.25 + pebuf[i, sl]
                ebuf[i, sl] = s
                row = row + jnp.full((16,), jnp.sum(s)) * onehot[hh]
            zbuf[i, :] = jnp.exp(jnp.clip(row, -5.0, 5.0))
            return 0
        lax.fori_loop(0, B, edge_body, 0)

        pltpu.sync_copy(ebuf, eout_hbm.at[pl.ds(base, B), :])
        pltpu.sync_copy(zbuf, zsh.at[sidx], add=True)
        return 0

    lax.fori_loop(0, NCHUNK, chunk_body, 0)

    plsc.subcore_barrier()

    @pl.when(sid == 0)
    def _():
        pltpu.sync_copy(zsh, zout_hbm.at[cid])


def _sc_call(src, dst, kh, qh, pe):
    mesh = plsc.VectorSubcoreMesh(
        core_axis_name="c", subcore_axis_name="s", num_cores=2, num_subcores=16)
    return pl.kernel(
        _sc_body,
        out_type=[
            jax.ShapeDtypeStruct((N_EDGES, D), jnp.float32),
            jax.ShapeDtypeStruct((2, N_NODES, 16), jnp.float32),
        ],
        mesh=mesh,
        compiler_params=pltpu.CompilerParams(
            needs_layout_passes=False, use_tc_tiling_on_sc=False),
        scratch_types=[
            pltpu.VMEM((B,), jnp.int32),
            pltpu.VMEM((B,), jnp.int32),
            pltpu.VMEM((B, D), jnp.float32),
            pltpu.VMEM((B, D), jnp.float32),
            pltpu.VMEM((B, D), jnp.float32),
            pltpu.VMEM((B, D), jnp.float32),
            pltpu.VMEM((B, 16), jnp.float32),
            pltpu.VMEM((125, 16), jnp.float32),
            pltpu.VMEM_SHARED((N_NODES, 16), jnp.float32),
            pltpu.SemaphoreType.DMA,
            pltpu.SemaphoreType.DMA,
            pltpu.SemaphoreType.DMA,
        ],
    )(src, dst, kh, qh, pe)


def _finish_body(v_ref, zp_ref, sz_ref, sc_ref, o_ref):
    zs = zp_ref[0] + zp_ref[1]
    zfull = jnp.dot(zs, sz_ref[...], preferred_element_type=jnp.float32)
    cfull = jnp.dot(zs, sc_ref[...], preferred_element_type=jnp.float32)
    z = jnp.where(cfull > 0.0, zfull / jnp.maximum(cfull, 1.0), 0.0)
    o_ref[...] = v_ref[...] * zfull / (z + 1e-6)


def _finish(v_h, zpart, sz, sc):
    block = 1000
    grid = N_NODES // block
    return pl.pallas_call(
        _finish_body,
        grid=(grid,),
        in_specs=[
            pl.BlockSpec((block, D), lambda i: (i, 0)),
            pl.BlockSpec((2, block, 16), lambda i: (0, i, 0)),
            pl.BlockSpec((16, D), lambda i: (0, 0)),
            pl.BlockSpec((16, D), lambda i: (0, 0)),
        ],
        out_specs=pl.BlockSpec((block, D), lambda i: (i, 0)),
        out_shape=jax.ShapeDtypeStruct((N_NODES, D), jnp.float32),
    )(v_h, zpart, sz, sc)


_SZ = np.zeros((16, D), np.float32)
for _h in range(H):
    _SZ[_h, _h * HD:(_h + 1) * HD] = 1.0
_SC = np.zeros((16, D), np.float32)
_SC[8, :] = 1.0


def kernel(edge_index, h, e, Qw, Qb, Kw, Kb, Vw, Vb, Ew, Eb):
    src = edge_index[0].astype(jnp.int32)
    dst = edge_index[1].astype(jnp.int32)

    wqkv = jnp.concatenate([Qw, Kw, Vw], axis=1)
    bqkv = jnp.concatenate([Qb, Kb, Vb], axis=0)
    qkv = _matmul_bias(h, wqkv, bqkv, block_rows=1000)
    q_h = qkv[:, 0:D]
    k_h = qkv[:, D:2 * D]
    v_h = qkv[:, 2 * D:3 * D]
    pe = _matmul_bias(e, Ew, Eb, block_rows=8000)

    e_out, zpart = _sc_call(src, dst, k_h, qh=q_h, pe=pe)

    h_out = _finish(v_h, zpart, jnp.asarray(_SZ), jnp.asarray(_SC))

    return (h_out.reshape(N_NODES, H, HD), e_out.reshape(N_EDGES, H, HD))

# --- scband reference (transcript-rebuilt; emitter-appended) ---
"""Pipeline reference for scband-multi-head-attention-layer-42554535969392 (READ-ONLY COPY).

The authoritative reference and input builder live on the scoring server;
editing this copy changes nothing except your own understanding.
"""

import jax, jax.numpy as jnp
import numpy as np

NUM_HEADS = 8
OUT_DIM = 16
IN_NODE_DIM = 128
IN_EDGE_DIM = 16
N_NODES = 10000
N_EDGES = 320000

def setup_inputs(seed: int = 0) -> dict:
    key = jax.random.key(seed)
    ks = jax.random.split(key, 12)
    edge_index = jax.random.randint(ks[0], (2, N_EDGES), 0, N_NODES, dtype=jnp.int64) if jax.config.jax_enable_x64 else jax.random.randint(ks[0], (2, N_EDGES), 0, N_NODES).astype(jnp.int32)
    h = jax.random.normal(ks[1], (N_NODES, IN_NODE_DIM), dtype=jnp.float32)
    e = jax.random.normal(ks[2], (N_EDGES, IN_EDGE_DIM), dtype=jnp.float32)
    d = OUT_DIM * NUM_HEADS
    s_n = 1.0 / np.sqrt(IN_NODE_DIM)
    s_e = 1.0 / np.sqrt(IN_EDGE_DIM)
    Qw = jax.random.uniform(ks[3], (IN_NODE_DIM, d), jnp.float32, -s_n, s_n)
    Qb = jax.random.uniform(ks[4], (d,), jnp.float32, -s_n, s_n)
    Kw = jax.random.uniform(ks[5], (IN_NODE_DIM, d), jnp.float32, -s_n, s_n)
    Kb = jax.random.uniform(ks[6], (d,), jnp.float32, -s_n, s_n)
    Vw = jax.random.uniform(ks[7], (IN_NODE_DIM, d), jnp.float32, -s_n, s_n)
    Vb = jax.random.uniform(ks[8], (d,), jnp.float32, -s_n, s_n)
    Ew = jax.random.uniform(ks[9], (IN_EDGE_DIM, d), jnp.float32, -s_e, s_e)
    Eb = jax.random.uniform(ks[10], (d,), jnp.float32, -s_e, s_e)
    return {"edge_index": edge_index, "h": h, "e": e, "Qw": Qw, "Qb": Qb, "Kw": Kw, "Kb": Kb, "Vw": Vw, "Vb": Vb, "Ew": Ew, "Eb": Eb}

def reference(edge_index, h, e, Qw, Qb, Kw, Kb, Vw, Vb, Ew, Eb):
    N = h.shape[0]
    E = e.shape[0]
    Q_h = (h @ Qw + Qb).reshape(N, NUM_HEADS, OUT_DIM)
    K_h = (h @ Kw + Kb).reshape(N, NUM_HEADS, OUT_DIM)
    V_h = (h @ Vw + Vb).reshape(N, NUM_HEADS, OUT_DIM)
    proj_e = (e @ Ew + Eb).reshape(E, NUM_HEADS, OUT_DIM)
    src = edge_index[0]
    dst = edge_index[1]
    K_e = jnp.take(K_h, src, axis=0)
    Q_e = jnp.take(Q_h, dst, axis=0)
    V_e = jnp.take(V_h, src, axis=0)
    atten_score = K_e * Q_e
    atten_score = atten_score / np.sqrt(OUT_DIM)
    atten_score = atten_score + proj_e
    e_out = atten_score
    att = jnp.exp(jnp.clip(atten_score.sum(-1, keepdims=True), -5.0, 5.0))
    V_w = V_e * att
    wV = jax.ops.segment_sum(V_w, src, num_segments=N)
    z_sum = jax.ops.segment_sum(att, src, num_segments=N)
    cnt = jax.ops.segment_sum(jnp.ones((E, 1, 1), dtype=att.dtype), src, num_segments=N)
    z = jnp.where(cnt > 0, z_sum / jnp.maximum(cnt, 1.0), 0.0)
    h_out = wV / (z + 1e-06)
    return (h_out, e_out)

if __name__ == "__main__":
    import jax
    _d = setup_inputs()
    print(jax.jit(kernel)(*tuple(_d.values())))

</pallas_src>

<mosaic_0001>
#map = affine_map<(d0, d1) -> (0)>
#map1 = affine_map<(d0, d1) -> (0, 0)>
#map2 = affine_map<(d0, d1) -> (0, 0, 0)>
module attributes {stable_mosaic.version = 14 : i64} {
  func.func @_sc_body(%arg0: i32, %arg1: i32, %arg2: memref<320000xi32, #tpu.memory_space<hbm>>, %arg3: memref<320000xi32, #tpu.memory_space<hbm>>, %arg4: memref<10000x128xf32, #tpu.memory_space<hbm>>, %arg5: memref<10000x128xf32, #tpu.memory_space<hbm>>, %arg6: memref<320000x128xf32, #tpu.memory_space<hbm>>, %arg7: memref<320000x128xf32, #tpu.memory_space<hbm>>, %arg8: memref<2x10000x16xf32, #tpu.memory_space<hbm>>, %arg9: memref<80xi32, #tpu.memory_space<vmem>>, %arg10: memref<80xi32, #tpu.memory_space<vmem>>, %arg11: memref<80x128xf32, #tpu.memory_space<vmem>>, %arg12: memref<80x128xf32, #tpu.memory_space<vmem>>, %arg13: memref<80x128xf32, #tpu.memory_space<vmem>>, %arg14: memref<80x128xf32, #tpu.memory_space<vmem>>, %arg15: memref<80x16xf32, #tpu.memory_space<vmem>>, %arg16: memref<125x16xf32, #tpu.memory_space<vmem>>, %arg17: memref<10000x16xf32, #tpu.memory_space<vmem_shared>>, %arg18: memref<!tpu.dma_semaphore, #tpu.memory_space<semaphore_mem>>, %arg19: memref<!tpu.dma_semaphore, #tpu.memory_space<semaphore_mem>>, %arg20: memref<!tpu.dma_semaphore, #tpu.memory_space<semaphore_mem>>) attributes {dimension_semantics = [#tpu.dimension_semantics<core_parallel>, #tpu.dimension_semantics<subcore_parallel>], iteration_bounds = array<i64: 2, 16>, scalar_prefetch = 0 : i64, scratch_operands = 12 : i64, tpu.core_type = #tpu.core_type<sc_vector_subcore>, window_params = [{transform_indices = #map}, {transform_indices = #map}, {transform_indices = #map1}, {transform_indices = #map1}, {transform_indices = #map1}, {transform_indices = #map1}, {transform_indices = #map2}]} {
    %mul3A = arith.constant 16 : i32
    %mul3A_0 = arith.muli %arg0, %mul3A : i32
    %add3A = arith.addi %mul3A_0, %arg1 : i32
    %scan3A = arith.constant 0 : i32
    %scan3A_1 = arith.constant 0 : i32
    %scan3A_2 = arith.constant 125 : i32
    %scan3A_3 = arith.addi %scan3A_1, %scan3A_2 : i32
    %scan3A_4 = arith.constant 1 : i32
    %scan3A_5 = scf.for %scan3A_85 = %scan3A_1 to %scan3A_3 step %scan3A_4 iter_args(%scan3A_86 = %scan3A) -> (i32)  : i32 {
      %broadcast_in_dim3A_87 = arith.constant 0.000000e+00 : f32
      %broadcast_in_dim3A_88 = vector.broadcast %broadcast_in_dim3A_87 : f32 to vector<16xf32>
      %swap3A = arith.index_cast %scan3A_85 : i32 to index
      %swap3A_89 = arith.constant 0 : index
      %swap3A_90 = tpu.vector_load %arg16[%swap3A, %swap3A_89] {strides = array<i32>} : memref<125x16xf32, #tpu.memory_space<vmem>>, vector<16xf32>,
      tpu.vector_store %arg16[%swap3A, %swap3A_89], %broadcast_in_dim3A_88 {strides = array<i32>} : memref<125x16xf32, #tpu.memory_space<vmem>>, vector<16xf32>,
      %scan3A_91 = arith.constant 0 : i32
      scf.yield %scan3A_91 : i32
    }
    %scan3A_6 = arith.constant 125 : i32
    %scan3A_7 = arith.constant 0 : i32
    %scan3A_8 = arith.constant 0 : i32
    %scan3A_9 = arith.constant 5 : i32
    %scan3A_10 = arith.addi %scan3A_8, %scan3A_9 : i32
    %scan3A_11 = arith.constant 1 : i32
    %scan3A_12 = scf.for %scan3A_85 = %scan3A_8 to %scan3A_10 step %scan3A_11 iter_args(%scan3A_86 = %scan3A_7) -> (i32)  : i32 {
      %mul3A_87 = arith.constant 625 : i32
      %mul3A_88 = arith.muli %arg1, %mul3A_87 : i32
      %mul3A_89 = arith.constant 125 : i32
      %mul3A_90 = arith.muli %scan3A_85, %mul3A_89 : i32
      %add3A_91 = arith.addi %mul3A_88, %mul3A_90 : i32
      "tpu.region"() ({
        %run_scoped3A = tpu.sem_alloc : memref<!tpu.dma_semaphore, #tpu.memory_space<semaphore_mem>>
        %dma_start3A = arith.constant 0 : i32
        %dma_start3A_93 = tpu.memref_slice %arg17[%add3A_91, %dma_start3A] : memref<10000x16xf32, #tpu.memory_space<vmem_shared>> -> memref<125x16xf32, #tpu.memory_space<vmem_shared>>
        %dma_start3A_94 = arith.constant 0 : i32
        %dma_start3A_95 = tpu.memref_slice %arg17[%add3A_91, %dma_start3A_94] : memref<10000x16xf32, #tpu.memory_space<vmem_shared>> -> memref<125x16xf32, #tpu.memory_space<vmem_shared>>
        tpu.enqueue_dma source(%arg16 : memref<125x16xf32, #tpu.memory_space<vmem>>) target(%dma_start3A_95 : memref<125x16xf32, #tpu.memory_space<vmem_shared>>) target_semaphore(%run_scoped3A : memref<!tpu.dma_semaphore, #tpu.memory_space<semaphore_mem>>)
        %dma_wait3A = arith.constant 0 : i32
        %dma_wait3A_96 = tpu.memref_slice %arg17[%add3A_91, %dma_wait3A] : memref<10000x16xf32, #tpu.memory_space<vmem_shared>> -> memref<125x16xf32, #tpu.memory_space<vmem_shared>>
        %dma_wait3A_97 = arith.constant 0 : i32
        %dma_wait3A_98 = tpu.memref_slice %arg17[%add3A_91, %dma_wait3A_97] : memref<10000x16xf32, #tpu.memory_space<vmem_shared>> -> memref<125x16xf32, #tpu.memory_space<vmem_shared>>
        tpu.wait_dma2 semaphore(%run_scoped3A : memref<!tpu.dma_semaphore, #tpu.memory_space<semaphore_mem>>) src(%arg16 : memref<125x16xf32, #tpu.memory_space<vmem>>) dst(%dma_wait3A_98 : memref<125x16xf32, #tpu.memory_space<vmem_shared>>)
        tpu.yield
      }) : () -> ()
      %scan3A_92 = arith.constant 0 : i32
      scf.yield %scan3A_92 : i32
    }
    %scan3A_13 = arith.constant 5 : i32
    %barrier3A = arith.constant 0 : index
    tpu.barrier barrier_id(%barrier3A)
    %iota3A = tpu.iota {dimensions = array<i32: 0>} : vector<16xi32>
    %eq3A = arith.constant 0 : i32
    %eq3A_14 = vector.broadcast %eq3A : i32 to vector<16xi32>
    %eq3A_15 = arith.cmpi eq, %iota3A, %eq3A_14 : vector<16xi32>
    %jit3A = arith.constant 1.000000e+00 : f32
    %jit3A_16 = arith.constant 0.000000e+00 : f32
    %broadcast_in_dim3A = vector.broadcast %jit3A : f32 to vector<16xf32>
    %broadcast_in_dim3A_17 = vector.broadcast %jit3A_16 : f32 to vector<16xf32>
    %select_n3A = arith.select %eq3A_15, %broadcast_in_dim3A, %broadcast_in_dim3A_17 : vector<16xi1>, vector<16xf32>
    %eq3A_18 = arith.constant 1 : i32
    %eq3A_19 = vector.broadcast %eq3A_18 : i32 to vector<16xi32>
    %eq3A_20 = arith.cmpi eq, %iota3A, %eq3A_19 : vector<16xi32>
    %jit3A_21 = arith.constant 1.000000e+00 : f32
    %jit3A_22 = arith.constant 0.000000e+00 : f32
    %broadcast_in_dim3A_23 = vector.broadcast %jit3A_21 : f32 to vector<16xf32>
    %broadcast_in_dim3A_24 = vector.broadcast %jit3A_22 : f32 to vector<16xf32>
    %select_n3A_25 = arith.select %eq3A_20, %broadcast_in_dim3A_23, %broadcast_in_dim3A_24 : vector<16xi1>, vector<16xf32>
    %eq3A_26 = arith.constant 2 : i32
    %eq3A_27 = vector.broadcast %eq3A_26 : i32 to vector<16xi32>
    %eq3A_28 = arith.cmpi eq, %iota3A, %eq3A_27 : vector<16xi32>
    %jit3A_29 = arith.constant 1.000000e+00 : f32
    %jit3A_30 = arith.constant 0.000000e+00 : f32
    %broadcast_in_dim3A_31 = vector.broadcast %jit3A_29 : f32 to vector<16xf32>
    %broadcast_in_dim3A_32 = vector.broadcast %jit3A_30 : f32 to vector<16xf32>
    %select_n3A_33 = arith.select %eq3A_28, %broadcast_in_dim3A_31, %broadcast_in_dim3A_32 : vector<16xi1>, vector<16xf32>
    %eq3A_34 = arith.constant 3 : i32
    %eq3A_35 = vector.broadcast %eq3A_34 : i32 to vector<16xi32>
    %eq3A_36 = arith.cmpi eq, %iota3A, %eq3A_35 : vector<16xi32>
    %jit3A_37 = arith.constant 1.000000e+00 : f32
    %jit3A_38 = arith.constant 0.000000e+00 : f32
    %broadcast_in_dim3A_39 = vector.broadcast %jit3A_37 : f32 to vector<16xf32>
    %broadcast_in_dim3A_40 = vector.broadcast %jit3A_38 : f32 to vector<16xf32>
    %select_n3A_41 = arith.select %eq3A_36, %broadcast_in_dim3A_39, %broadcast_in_dim3A_40 : vector<16xi1>, vector<16xf32>
    %eq3A_42 = arith.constant 4 : i32
    %eq3A_43 = vector.broadcast %eq3A_42 : i32 to vector<16xi32>
    %eq3A_44 = arith.cmpi eq, %iota3A, %eq3A_43 : vector<16xi32>
    %jit3A_45 = arith.constant 1.000000e+00 : f32
    %jit3A_46 = arith.constant 0.000000e+00 : f32
    %broadcast_in_dim3A_47 = vector.broadcast %jit3A_45 : f32 to vector<16xf32>
    %broadcast_in_dim3A_48 = vector.broadcast %jit3A_46 : f32 to vector<16xf32>
    %select_n3A_49 = arith.select %eq3A_44, %broadcast_in_dim3A_47, %broadcast_in_dim3A_48 : vector<16xi1>, vector<16xf32>
    %eq3A_50 = arith.constant 5 : i32
    %eq3A_51 = vector.broadcast %eq3A_50 : i32 to vector<16xi32>
    %eq3A_52 = arith.cmpi eq, %iota3A, %eq3A_51 : vector<16xi32>
    %jit3A_53 = arith.constant 1.000000e+00 : f32
    %jit3A_54 = arith.constant 0.000000e+00 : f32
    %broadcast_in_dim3A_55 = vector.broadcast %jit3A_53 : f32 to vector<16xf32>
    %broadcast_in_dim3A_56 = vector.broadcast %jit3A_54 : f32 to vector<16xf32>
    %select_n3A_57 = arith.select %eq3A_52, %broadcast_in_dim3A_55, %broadcast_in_dim3A_56 : vector<16xi1>, vector<16xf32>
    %eq3A_58 = arith.constant 6 : i32
    %eq3A_59 = vector.broadcast %eq3A_58 : i32 to vector<16xi32>
    %eq3A_60 = arith.cmpi eq, %iota3A, %eq3A_59 : vector<16xi32>
    %jit3A_61 = arith.constant 1.000000e+00 : f32
    %jit3A_62 = arith.constant 0.000000e+00 : f32
    %broadcast_in_dim3A_63 = vector.broadcast %jit3A_61 : f32 to vector<16xf32>
    %broadcast_in_dim3A_64 = vector.broadcast %jit3A_62 : f32 to vector<16xf32>
    %select_n3A_65 = arith.select %eq3A_60, %broadcast_in_dim3A_63, %broadcast_in_dim3A_64 : vector<16xi1>, vector<16xf32>
    %eq3A_66 = arith.constant 7 : i32
    %eq3A_67 = vector.broadcast %eq3A_66 : i32 to vector<16xi32>
    %eq3A_68 = arith.cmpi eq, %iota3A, %eq3A_67 : vector<16xi32>
    %jit3A_69 = arith.constant 1.000000e+00 : f32
    %jit3A_70 = arith.constant 0.000000e+00 : f32
    %broadcast_in_dim3A_71 = vector.broadcast %jit3A_69 : f32 to vector<16xf32>
    %broadcast_in_dim3A_72 = vector.broadcast %jit3A_70 : f32 to vector<16xf32>
    %select_n3A_73 = arith.select %eq3A_68, %broadcast_in_dim3A_71, %broadcast_in_dim3A_72 : vector<16xi1>, vector<16xf32>
    %scan3A_74 = arith.constant 0 : i32
    %scan3A_75 = arith.constant 0 : i32
    %scan3A_76 = arith.constant 125 : i32
    %scan3A_77 = arith.addi %scan3A_75, %scan3A_76 : i32
    %scan3A_78 = arith.constant 1 : i32
    %scan3A_79 = scf.for %scan3A_85 = %scan3A_75 to %scan3A_77 step %scan3A_78 iter_args(%scan3A_86 = %scan3A_74) -> (i32)  : i32 {
      %mul3A_87 = arith.constant 10000 : i32
      %mul3A_88 = arith.muli %add3A, %mul3A_87 : i32
      %mul3A_89 = arith.constant 80 : i32
      %mul3A_90 = arith.muli %scan3A_85, %mul3A_89 : i32
      %add3A_91 = arith.addi %mul3A_88, %mul3A_90 : i32
      "tpu.region"() ({
        %run_scoped3A = tpu.sem_alloc : memref<!tpu.dma_semaphore, #tpu.memory_space<semaphore_mem>>
        %dma_start3A_118 = tpu.memref_slice %arg2[%add3A_91] : memref<320000xi32, #tpu.memory_space<hbm>> -> memref<80xi32, #tpu.memory_space<hbm>>
        %dma_start3A_119 = tpu.memref_slice %arg2[%add3A_91] : memref<320000xi32, #tpu.memory_space<hbm>> -> memref<80xi32, #tpu.memory_space<hbm>>
        tpu.enqueue_dma source(%dma_start3A_119 : memref<80xi32, #tpu.memory_space<hbm>>) target(%arg9 : memref<80xi32, #tpu.memory_space<vmem>>) target_semaphore(%run_scoped3A : memref<!tpu.dma_semaphore, #tpu.memory_space<semaphore_mem>>)
        %dma_wait3A_120 = tpu.memref_slice %arg2[%add3A_91] : memref<320000xi32, #tpu.memory_space<hbm>> -> memref<80xi32, #tpu.memory_space<hbm>>
        %dma_wait3A_121 = tpu.memref_slice %arg2[%add3A_91] : memref<320000xi32, #tpu.memory_space<hbm>> -> memref<80xi32, #tpu.memory_space<hbm>>
        tpu.wait_dma2 semaphore(%run_scoped3A : memref<!tpu.dma_semaphore, #tpu.memory_space<semaphore_mem>>) src(%dma_wait3A_121 : memref<80xi32, #tpu.memory_space<hbm>>) dst(%arg9 : memref<80xi32, #tpu.memory_space<vmem>>)
        tpu.yield
      }) : () -> ()
      "tpu.region"() ({
        %run_scoped3A = tpu.sem_alloc : memref<!tpu.dma_semaphore, #tpu.memory_space<semaphore_mem>>
        %dma_start3A_118 = tpu.memref_slice %arg3[%add3A_91] : memref<320000xi32, #tpu.memory_space<hbm>> -> memref<80xi32, #tpu.memory_space<hbm>>
        %dma_start3A_119 = tpu.memref_slice %arg3[%add3A_91] : memref<320000xi32, #tpu.memory_space<hbm>> -> memref<80xi32, #tpu.memory_space<hbm>>
        tpu.enqueue_dma source(%dma_start3A_119 : memref<80xi32, #tpu.memory_space<hbm>>) target(%arg10 : memref<80xi32, #tpu.memory_space<vmem>>) target_semaphore(%run_scoped3A : memref<!tpu.dma_semaphore, #tpu.memory_space<semaphore_mem>>)
        %dma_wait3A_120 = tpu.memref_slice %arg3[%add3A_91] : memref<320000xi32, #tpu.memory_space<hbm>> -> memref<80xi32, #tpu.memory_space<hbm>>
        %dma_wait3A_121 = tpu.memref_slice %arg3[%add3A_91] : memref<320000xi32, #tpu.memory_space<hbm>> -> memref<80xi32, #tpu.memory_space<hbm>>
        tpu.wait_dma2 semaphore(%run_scoped3A : memref<!tpu.dma_semaphore, #tpu.memory_space<semaphore_mem>>) src(%dma_wait3A_121 : memref<80xi32, #tpu.memory_space<hbm>>) dst(%arg10 : memref<80xi32, #tpu.memory_space<vmem>>)
        tpu.yield
      }) : () -> ()
      %dma_start3A = arith.constant 0 : i32
      %dma_start3A_92 = arith.constant 0 : i32
      %dma_start3A_93 = tpu.memref_slice %arg4[%dma_start3A, %dma_start3A_92] : memref<10000x128xf32, #tpu.memory_space<hbm>> -> memref<10000x128xf32, #tpu.memory_space<hbm>>
      tpu.enqueue_indirect_dma source(%dma_start3A_93 : memref<10000x128xf32, #tpu.memory_space<hbm>>) target(%arg11 : memref<80x128xf32, #tpu.memory_space<vmem>>) offsets(%arg9 : memref<80xi32, #tpu.memory_space<vmem>>) semaphore(%arg18 : memref<!tpu.dma_semaphore, #tpu.memory_space<semaphore_mem>>)
      %dma_start3A_94 = arith.constant 0 : i32
      %dma_start3A_95 = arith.constant 0 : i32
      %dma_start3A_96 = tpu.memref_slice %arg5[%dma_start3A_94, %dma_start3A_95] : memref<10000x128xf32, #tpu.memory_space<hbm>> -> memref<10000x128xf32, #tpu.memory_space<hbm>>
      tpu.enqueue_indirect_dma source(%dma_start3A_96 : memref<10000x128xf32, #tpu.memory_space<hbm>>) target(%arg12 : memref<80x128xf32, #tpu.memory_space<vmem>>) offsets(%arg10 : memref<80xi32, #tpu.memory_space<vmem>>) semaphore(%arg19 : memref<!tpu.dma_semaphore, #tpu.memory_space<semaphore_mem>>)
      %dma_start3A_97 = arith.constant 0 : i32
      %dma_start3A_98 = tpu.memref_slice %arg6[%add3A_91, %dma_start3A_97] : memref<320000x128xf32, #tpu.memory_space<hbm>> -> memref<80x128xf32, #tpu.memory_space<hbm>>
      %dma_start3A_99 = arith.constant 0 : i32
      %dma_start3A_100 = tpu.memref_slice %arg6[%add3A_91, %dma_start3A_99] : memref<320000x128xf32, #tpu.memory_space<hbm>> -> memref<80x128xf32, #tpu.memory_space<hbm>>
      tpu.enqueue_dma source(%dma_start3A_100 : memref<80x128xf32, #tpu.memory_space<hbm>>) target(%arg13 : memref<80x128xf32, #tpu.memory_space<vmem>>) target_semaphore(%arg20 : memref<!tpu.dma_semaphore, #tpu.memory_space<semaphore_mem>>)
      %dma_wait3A = arith.constant 0 : i32
      %dma_wait3A_101 = arith.constant 0 : i32
      %dma_wait3A_102 = tpu.memref_slice %arg4[%dma_wait3A, %dma_wait3A_101] : memref<10000x128xf32, #tpu.memory_space<hbm>> -> memref<10000x128xf32, #tpu.memory_space<hbm>>
      tpu.wait_indirect_dma semaphore(%arg18 : memref<!tpu.dma_semaphore, #tpu.memory_space<semaphore_mem>>) src(%dma_wait3A_102 : memref<10000x128xf32, #tpu.memory_space<hbm>>) dst(%arg11 : memref<80x128xf32, #tpu.memory_space<vmem>>)
      %dma_wait3A_103 = arith.constant 0 : i32
      %dma_wait3A_104 = arith.constant 0 : i32
      %dma_wait3A_105 = tpu.memref_slice %arg5[%dma_wait3A_103, %dma_wait3A_104] : memref<10000x128xf32, #tpu.memory_space<hbm>> -> memref<10000x128xf32, #tpu.memory_space<hbm>>
      tpu.wait_indirect_dma semaphore(%arg19 : memref<!tpu.dma_semaphore, #tpu.memory_space<semaphore_mem>>) src(%dma_wait3A_105 : memref<10000x128xf32, #tpu.memory_space<hbm>>) dst(%arg12 : memref<80x128xf32, #tpu.memory_space<vmem>>)
      %dma_wait3A_106 = arith.constant 0 : i32
      %dma_wait3A_107 = tpu.memref_slice %arg6[%add3A_91, %dma_wait3A_106] : memref<320000x128xf32, #tpu.memory_space<hbm>> -> memref<80x128xf32, #tpu.memory_space<hbm>>
      %dma_wait3A_108 = arith.constant 0 : i32
      %dma_wait3A_109 = tpu.memref_slice %arg6[%add3A_91, %dma_wait3A_108] : memref<320000x128xf32, #tpu.memory_space<hbm>> -> memref<80x128xf32, #tpu.memory_space<hbm>>
      tpu.wait_dma2 semaphore(%arg20 : memref<!tpu.dma_semaphore, #tpu.memory_space<semaphore_mem>>) src(%dma_wait3A_109 : memref<80x128xf32, #tpu.memory_space<hbm>>) dst(%arg13 : memref<80x128xf32, #tpu.memory_space<vmem>>)
      %scan3A_110 = arith.constant 0 : i32
      %scan3A_111 = arith.constant 0 : i32
      %scan3A_112 = arith.constant 80 : i32
      %scan3A_113 = arith.addi %scan3A_111, %scan3A_112 : i32
      %scan3A_114 = arith.constant 1 : i32
      %scan3A_115 = scf.for %scan3A_118 = %scan3A_111 to %scan3A_113 step %scan3A_114 iter_args(%scan3A_119 = %scan3A_110) -> (i32)  : i32 {
        %broadcast_in_dim3A_120 = arith.constant 0.000000e+00 : f32
        %broadcast_in_dim3A_121 = vector.broadcast %broadcast_in_dim3A_120 : f32 to vector<16xf32>
        %get3A = arith.index_cast %scan3A_118 : i32 to index
        %get3A_122 = arith.constant 0 : index
        %get3A_123 = tpu.vector_load %arg11[%get3A, %get3A_122] {strides = array<i32>} : memref<80x128xf32, #tpu.memory_space<vmem>>, vector<16xf32>,
        %get3A_124 = arith.index_cast %scan3A_118 : i32 to index
        %get3A_125 = arith.constant 0 : index
        %get3A_126 = tpu.vector_load %arg12[%get3A_124, %get3A_125] {strides = array<i32>} : memref<80x128xf32, #tpu.memory_space<vmem>>, vector<16xf32>,
        %mul3A_127 = arith.mulf %get3A_123, %get3A_126 : vector<16xf32>
        %mul3A_128 = arith.constant 2.500000e-01 : f32
        %mul3A_129 = vector.broadcast %mul3A_128 : f32 to vector<16xf32>
        %mul3A_130 = arith.mulf %mul3A_127, %mul3A_129 : vector<16xf32>
        %get3A_131 = arith.index_cast %scan3A_118 : i32 to index
        %get3A_132 = arith.constant 0 : index
        %get3A_133 = tpu.vector_load %arg13[%get3A_131, %get3A_132] {strides = array<i32>} : memref<80x128xf32, #tpu.memory_space<vmem>>, vector<16xf32>,
        %add3A_134 = arith.addf %mul3A_130, %get3A_133 : vector<16xf32>
        %swap3A = arith.index_cast %scan3A_118 : i32 to index
        %swap3A_135 = arith.constant 0 : index
        %swap3A_136 = tpu.vector_load %arg14[%swap3A, %swap3A_135] {strides = array<i32>} : memref<80x128xf32, #tpu.memory_space<vmem>>, vector<16xf32>,
        tpu.vector_store %arg14[%swap3A, %swap3A_135], %add3A_134 {strides = array<i32>} : memref<80x128xf32, #tpu.memory_space<vmem>>, vector<16xf32>,
        %reduce_sum3A = arith.constant true
        %reduce_sum3A_137 = vector.broadcast %reduce_sum3A : i1 to vector<16xi1>
        %reduce_sum3A_138 = tpu.scan <sum>, %add3A_134 masked %reduce_sum3A_137 : vector<16xf32>, vector<16xi1> -> vector<16xf32>
        %reduce_sum3A_139 = vector.extract %reduce_sum3A_138[15] : f32 from vector<16xf32>
        %broadcast_in_dim3A_140 = vector.broadcast %reduce_sum3A_139 : f32 to vector<16xf32>
        %mul3A_141 = arith.mulf %broadcast_in_dim3A_140, %select_n3A : vector<16xf32>
        %add3A_142 = arith.addf %broadcast_in_dim3A_121, %mul3A_141 : vector<16xf32>
        %get3A_143 = arith.index_cast %scan3A_118 : i32 to index
        %get3A_144 = arith.constant 16 : index
        %get3A_145 = tpu.vector_load %arg11[%get3A_143, %get3A_144] {strides = array<i32>} : memref<80x128xf32, #tpu.memory_space<vmem>>, vector<16xf32>,
        %get3A_146 = arith.index_cast %scan3A_118 : i32 to index
        %get3A_147 = arith.constant 16 : index
        %get3A_148 = tpu.vector_load %arg12[%get3A_146, %get3A_147] {strides = array<i32>} : memref<80x128xf32, #tpu.memory_space<vmem>>, vector<16xf32>,
        %mul3A_149 = arith.mulf %get3A_145, %get3A_148 : vector<16xf32>
        %mul3A_150 = arith.constant 2.500000e-01 : f32
        %mul3A_151 = vector.broadcast %mul3A_150 : f32 to vector<16xf32>
        %mul3A_152 = arith.mulf %mul3A_149, %mul3A_151 : vector<16xf32>
        %get3A_153 = arith.index_cast %scan3A_118 : i32 to index
        %get3A_154 = arith.constant 16 : index
        %get3A_155 = tpu.vector_load %arg13[%get3A_153, %get3A_154] {strides = array<i32>} : memref<80x128xf32, #tpu.memory_space<vmem>>, vector<16xf32>,
        %add3A_156 = arith.addf %mul3A_152, %get3A_155 : vector<16xf32>
        %swap3A_157 = arith.index_cast %scan3A_118 : i32 to index
        %swap3A_158 = arith.constant 16 : index
        %swap3A_159 = tpu.vector_load %arg14[%swap3A_157, %swap3A_158] {strides = array<i32>} : memref<80x128xf32, #tpu.memory_space<vmem>>, vector<16xf32>,
        tpu.vector_store %arg14[%swap3A_157, %swap3A_158], %add3A_156 {strides = array<i32>} : memref<80x128xf32, #tpu.memory_space<vmem>>, vector<16xf32>,
        %reduce_sum3A_160 = arith.constant true
        %reduce_sum3A_161 = vector.broadcast %reduce_sum3A_160 : i1 to vector<16xi1>
        %reduce_sum3A_162 = tpu.scan <sum>, %add3A_156 masked %reduce_sum3A_161 : vector<16xf32>, vector<16xi1> -> vector<16xf32>
        %reduce_sum3A_163 = vector.extract %reduce_sum3A_162[15] : f32 from vector<16xf32>
        %broadcast_in_dim3A_164 = vector.broadcast %reduce_sum3A_163 : f32 to vector<16xf32>
        %mul3A_165 = arith.mulf %broadcast_in_dim3A_164, %select_n3A_25 : vector<16xf32>
        %add3A_166 = arith.addf %add3A_142, %mul3A_165 : vector<16xf32>
        %get3A_167 = arith.index_cast %scan3A_118 : i32 to index
        %get3A_168 = arith.constant 32 : index
        %get3A_169 = tpu.vector_load %arg11[%get3A_167, %get3A_168] {strides = array<i32>} : memref<80x128xf32, #tpu.memory_space<vmem>>, vector<16xf32>,
        %get3A_170 = arith.index_cast %scan3A_118 : i32 to index
        %get3A_171 = arith.constant 32 : index
        %get3A_172 = tpu.vector_load %arg12[%get3A_170, %get3A_171] {strides = array<i32>} : memref<80x128xf32, #tpu.memory_space<vmem>>, vector<16xf32>,
        %mul3A_173 = arith.mulf %get3A_169, %get3A_172 : vector<16xf32>
        %mul3A_174 = arith.constant 2.500000e-01 : f32
        %mul3A_175 = vector.broadcast %mul3A_174 : f32 to vector<16xf32>
        %mul3A_176 = arith.mulf %mul3A_173, %mul3A_175 : vector<16xf32>
        %get3A_177 = arith.index_cast %scan3A_118 : i32 to index
        %get3A_178 = arith.constant 32 : index
        %get3A_179 = tpu.vector_load %arg13[%get3A_177, %get3A_178] {strides = array<i32>} : memref<80x128xf32, #tpu.memory_space<vmem>>, vector<16xf32>,
        %add3A_180 = arith.addf %mul3A_176, %get3A_179 : vector<16xf32>
        %swap3A_181 = arith.index_cast %scan3A_118 : i32 to index
        %swap3A_182 = arith.constant 32 : index
        %swap3A_183 = tpu.vector_load %arg14[%swap3A_181, %swap3A_182] {strides = array<i32>} : memref<80x128xf32, #tpu.memory_space<vmem>>, vector<16xf32>,
        tpu.vector_store %arg14[%swap3A_181, %swap3A_182], %add3A_180 {strides = array<i32>} : memref<80x128xf32, #tpu.memory_space<vmem>>, vector<16xf32>,
        %reduce_sum3A_184 = arith.constant true
        %reduce_sum3A_185 = vector.broadcast %reduce_sum3A_184 : i1 to vector<16xi1>
        %reduce_sum3A_186 = tpu.scan <sum>, %add3A_180 masked %reduce_sum3A_185 : vector<16xf32>, vector<16xi1> -> vector<16xf32>
        %reduce_sum3A_187 = vector.extract %reduce_sum3A_186[15] : f32 from vector<16xf32>
        %broadcast_in_dim3A_188 = vector.broadcast %reduce_sum3A_187 : f32 to vector<16xf32>
        %mul3A_189 = arith.mulf %broadcast_in_dim3A_188, %select_n3A_33 : vector<16xf32>
        %add3A_190 = arith.addf %add3A_166, %mul3A_189 : vector<16xf32>
        %get3A_191 = arith.index_cast %scan3A_118 : i32 to index
        %get3A_192 = arith.constant 48 : index
        %get3A_193 = tpu.vector_load %arg11[%get3A_191, %get3A_192] {strides = array<i32>} : memref<80x128xf32, #tpu.memory_space<vmem>>, vector<16xf32>,
        %get3A_194 = arith.index_cast %scan3A_118 : i32 to index
        %get3A_195 = arith.constant 48 : index
        %get3A_196 = tpu.vector_load %arg12[%get3A_194, %get3A_195] {strides = array<i32>} : memref<80x128xf32, #tpu.memory_space<vmem>>, vector<16xf32>,
        %mul3A_197 = arith.mulf %get3A_193, %get3A_196 : vector<16xf32>
        %mul3A_198 = arith.constant 2.500000e-01 : f32
        %mul3A_199 = vector.broadcast %mul3A_198 : f32 to vector<16xf32>
        %mul3A_200 = arith.mulf %mul3A_197, %mul3A_199 : vector<16xf32>
        %get3A_201 = arith.index_cast %scan3A_118 : i32 to index
        %get3A_202 = arith.constant 48 : index
        %get3A_203 = tpu.vector_load %arg13[%get3A_201, %get3A_202] {strides = array<i32>} : memref<80x128xf32, #tpu.memory_space<vmem>>, vector<16xf32>,
        %add3A_204 = arith.addf %mul3A_200, %get3A_203 : vector<16xf32>
        %swap3A_205 = arith.index_cast %scan3A_118 : i32 to index
        %swap3A_206 = arith.constant 48 : index
        %swap3A_207 = tpu.vector_load %arg14[%swap3A_205, %swap3A_206] {strides = array<i32>} : memref<80x128xf32, #tpu.memory_space<vmem>>, vector<16xf32>,
        tpu.vector_store %arg14[%swap3A_205, %swap3A_206], %add3A_204 {strides = array<i32>} : memref<80x128xf32, #tpu.memory_space<vmem>>, vector<16xf32>,
        %reduce_sum3A_208 = arith.constant true
        %reduce_sum3A_209 = vector.broadcast %reduce_sum3A_208 : i1 to vector<16xi1>
        %reduce_sum3A_210 = tpu.scan <sum>, %add3A_204 masked %reduce_sum3A_209 : vector<16xf32>, vector<16xi1> -> vector<16xf32>
        %reduce_sum3A_211 = vector.extract %reduce_sum3A_210[15] : f32 from vector<16xf32>
        %broadcast_in_dim3A_212 = vector.broadcast %reduce_sum3A_211 : f32 to vector<16xf32>
        %mul3A_213 = arith.mulf %broadcast_in_dim3A_212, %select_n3A_41 : vector<16xf32>
        %add3A_214 = arith.addf %add3A_190, %mul3A_213 : vector<16xf32>
        %get3A_215 = arith.index_cast %scan3A_118 : i32 to index
        %get3A_216 = arith.constant 64 : index
        %get3A_217 = tpu.vector_load %arg11[%get3A_215, %get3A_216] {strides = array<i32>} : memref<80x128xf32, #tpu.memory_space<vmem>>, vector<16xf32>,
        %get3A_218 = arith.index_cast %scan3A_118 : i32 to index
        %get3A_219 = arith.constant 64 : index
        %get3A_220 = tpu.vector_load %arg12[%get3A_218, %get3A_219] {strides = array<i32>} : memref<80x128xf32, #tpu.memory_space<vmem>>, vector<16xf32>,
        %mul3A_221 = arith.mulf %get3A_217, %get3A_220 : vector<16xf32>
        %mul3A_222 = arith.constant 2.500000e-01 : f32
        %mul3A_223 = vector.broadcast %mul3A_222 : f32 to vector<16xf32>
        %mul3A_224 = arith.mulf %mul3A_221, %mul3A_223 : vector<16xf32>
        %get3A_225 = arith.index_cast %scan3A_118 : i32 to index
        %get3A_226 = arith.constant 64 : index
        %get3A_227 = tpu.vector_load %arg13[%get3A_225, %get3A_226] {strides = array<i32>} : memref<80x128xf32, #tpu.memory_space<vmem>>, vector<16xf32>,
        %add3A_228 = arith.addf %mul3A_224, %get3A_227 : vector<16xf32>
        %swap3A_229 = arith.index_cast %scan3A_118 : i32 to index
        %swap3A_230 = arith.constant 64 : index
        %swap3A_231 = tpu.vector_load %arg14[%swap3A_229, %swap3A_230] {strides = array<i32>} : memref<80x128xf32, #tpu.memory_space<vmem>>, vector<16xf32>,
        tpu.vector_store %arg14[%swap3A_229, %swap3A_230], %add3A_228 {strides = array<i32>} : memref<80x128xf32, #tpu.memory_space<vmem>>, vector<16xf32>,
        %reduce_sum3A_232 = arith.constant true
        %reduce_sum3A_233 = vector.broadcast %reduce_sum3A_232 : i1 to vector<16xi1>
        %reduce_sum3A_234 = tpu.scan <sum>, %add3A_228 masked %reduce_sum3A_233 : vector<16xf32>, vector<16xi1> -> vector<16xf32>
        %reduce_sum3A_235 = vector.extract %reduce_sum3A_234[15] : f32 from vector<16xf32>
        %broadcast_in_dim3A_236 = vector.broadcast %reduce_sum3A_235 : f32 to vector<16xf32>
        %mul3A_237 = arith.mulf %broadcast_in_dim3A_236, %select_n3A_49 : vector<16xf32>
        %add3A_238 = arith.addf %add3A_214, %mul3A_237 : vector<16xf32>
        %get3A_239 = arith.index_cast %scan3A_118 : i32 to index
        %get3A_240 = arith.constant 80 : index
        %get3A_241 = tpu.vector_load %arg11[%get3A_239, %get3A_240] {strides = array<i32>} : memref<80x128xf32, #tpu.memory_space<vmem>>, vector<16xf32>,
        %get3A_242 = arith.index_cast %scan3A_118 : i32 to index
        %get3A_243 = arith.constant 80 : index
        %get3A_244 = tpu.vector_load %arg12[%get3A_242, %get3A_243] {strides = array<i32>} : memref<80x128xf32, #tpu.memory_space<vmem>>, vector<16xf32>,
        %mul3A_245 = arith.mulf %get3A_241, %get3A_244 : vector<16xf32>
        %mul3A_246 = arith.constant 2.500000e-01 : f32
        %mul3A_247 = vector.broadcast %mul3A_246 : f32 to vector<16xf32>
        %mul3A_248 = arith.mulf %mul3A_245, %mul3A_247 : vector<16xf32>
        %get3A_249 = arith.index_cast %scan3A_118 : i32 to index
        %get3A_250 = arith.constant 80 : index
        %get3A_251 = tpu.vector_load %arg13[%get3A_249, %get3A_250] {strides = array<i32>} : memref<80x128xf32, #tpu.memory_space<vmem>>, vector<16xf32>,
        %add3A_252 = arith.addf %mul3A_248, %get3A_251 : vector<16xf32>
        %swap3A_253 = arith.index_cast %scan3A_118 : i32 to index
        %swap3A_254 = arith.constant 80 : index
        %swap3A_255 = tpu.vector_load %arg14[%swap3A_253, %swap3A_254] {strides = array<i32>} : memref<80x128xf32, #tpu.memory_space<vmem>>, vector<16xf32>,
        tpu.vector_store %arg14[%swap3A_253, %swap3A_254], %add3A_252 {strides = array<i32>} : memref<80x128xf32, #tpu.memory_space<vmem>>, vector<16xf32>,
        %reduce_sum3A_256 = arith.constant true
        %reduce_sum3A_257 = vector.broadcast %reduce_sum3A_256 : i1 to vector<16xi1>
        %reduce_sum3A_258 = tpu.scan <sum>, %add3A_252 masked %reduce_sum3A_257 : vector<16xf32>, vector<16xi1> -> vector<16xf32>
        %reduce_sum3A_259 = vector.extract %reduce_sum3A_258[15] : f32 from vector<16xf32>
        %broadcast_in_dim3A_260 = vector.broadcast %reduce_sum3A_259 : f32 to vector<16xf32>
        %mul3A_261 = arith.mulf %broadcast_in_dim3A_260, %select_n3A_57 : vector<16xf32>
        %add3A_262 = arith.addf %add3A_238, %mul3A_261 : vector<16xf32>
        %get3A_263 = arith.index_cast %scan3A_118 : i32 to index
        %get3A_264 = arith.constant 96 : index
        %get3A_265 = tpu.vector_load %arg11[%get3A_263, %get3A_264] {strides = array<i32>} : memref<80x128xf32, #tpu.memory_space<vmem>>, vector<16xf32>,
        %get3A_266 = arith.index_cast %scan3A_118 : i32 to index
        %get3A_267 = arith.constant 96 : index
        %get3A_268 = tpu.vector_load %arg12[%get3A_266, %get3A_267] {strides = array<i32>} : memref<80x128xf32, #tpu.memory_space<vmem>>, vector<16xf32>,
        %mul3A_269 = arith.mulf %get3A_265, %get3A_268 : vector<16xf32>
        %mul3A_270 = arith.constant 2.500000e-01 : f32
        %mul3A_271 = vector.broadcast %mul3A_270 : f32 to vector<16xf32>
        %mul3A_272 = arith.mulf %mul3A_269, %mul3A_271 : vector<16xf32>
        %get3A_273 = arith.index_cast %scan3A_118 : i32 to index
        %get3A_274 = arith.constant 96 : index
        %get3A_275 = tpu.vector_load %arg13[%get3A_273, %get3A_274] {strides = array<i32>} : memref<80x128xf32, #tpu.memory_space<vmem>>, vector<16xf32>,
        %add3A_276 = arith.addf %mul3A_272, %get3A_275 : vector<16xf32>
        %swap3A_277 = arith.index_cast %scan3A_118 : i32 to index
        %swap3A_278 = arith.constant 96 : index
        %swap3A_279 = tpu.vector_load %arg14[%swap3A_277, %swap3A_278] {strides = array<i32>} : memref<80x128xf32, #tpu.memory_space<vmem>>, vector<16xf32>,
        tpu.vector_store %arg14[%swap3A_277, %swap3A_278], %add3A_276 {strides = array<i32>} : memref<80x128xf32, #tpu.memory_space<vmem>>, vector<16xf32>,
        %reduce_sum3A_280 = arith.constant true
        %reduce_sum3A_281 = vector.broadcast %reduce_sum3A_280 : i1 to vector<16xi1>
        %reduce_sum3A_282 = tpu.scan <sum>, %add3A_276 masked %reduce_sum3A_281 : vector<16xf32>, vector<16xi1> -> vector<16xf32>
        %reduce_sum3A_283 = vector.extract %reduce_sum3A_282[15] : f32 from vector<16xf32>
        %broadcast_in_dim3A_284 = vector.broadcast %reduce_sum3A_283 : f32 to vector<16xf32>
        %mul3A_285 = arith.mulf %broadcast_in_dim3A_284, %select_n3A_65 : vector<16xf32>
        %add3A_286 = arith.addf %add3A_262, %mul3A_285 : vector<16xf32>
        %get3A_287 = arith.index_cast %scan3A_118 : i32 to index
        %get3A_288 = arith.constant 112 : index
        %get3A_289 = tpu.vector_load %arg11[%get3A_287, %get3A_288] {strides = array<i32>} : memref<80x128xf32, #tpu.memory_space<vmem>>, vector<16xf32>,
        %get3A_290 = arith.index_cast %scan3A_118 : i32 to index
        %get3A_291 = arith.constant 112 : index
        %get3A_292 = tpu.vector_load %arg12[%get3A_290, %get3A_291] {strides = array<i32>} : memref<80x128xf32, #tpu.memory_space<vmem>>, vector<16xf32>,
        %mul3A_293 = arith.mulf %get3A_289, %get3A_292 : vector<16xf32>
        %mul3A_294 = arith.constant 2.500000e-01 : f32
        %mul3A_295 = vector.broadcast %mul3A_294 : f32 to vector<16xf32>
        %mul3A_296 = arith.mulf %mul3A_293, %mul3A_295 : vector<16xf32>
        %get3A_297 = arith.index_cast %scan3A_118 : i32 to index
        %get3A_298 = arith.constant 112 : index
        %get3A_299 = tpu.vector_load %arg13[%get3A_297, %get3A_298] {strides = array<i32>} : memref<80x128xf32, #tpu.memory_space<vmem>>, vector<16xf32>,
        %add3A_300 = arith.addf %mul3A_296, %get3A_299 : vector<16xf32>
        %swap3A_301 = arith.index_cast %scan3A_118 : i32 to index
        %swap3A_302 = arith.constant 112 : index
        %swap3A_303 = tpu.vector_load %arg14[%swap3A_301, %swap3A_302] {strides = array<i32>} : memref<80x128xf32, #tpu.memory_space<vmem>>, vector<16xf32>,
        tpu.vector_store %arg14[%swap3A_301, %swap3A_302], %add3A_300 {strides = array<i32>} : memref<80x128xf32, #tpu.memory_space<vmem>>, vector<16xf32>,
        %reduce_sum3A_304 = arith.constant true
        %reduce_sum3A_305 = vector.broadcast %reduce_sum3A_304 : i1 to vector<16xi1>
        %reduce_sum3A_306 = tpu.scan <sum>, %add3A_300 masked %reduce_sum3A_305 : vector<16xf32>, vector<16xi1> -> vector<16xf32>
        %reduce_sum3A_307 = vector.extract %reduce_sum3A_306[15] : f32 from vector<16xf32>
        %broadcast_in_dim3A_308 = vector.broadcast %reduce_sum3A_307 : f32 to vector<16xf32>
        %mul3A_309 = arith.mulf %broadcast_in_dim3A_308, %select_n3A_73 : vector<16xf32>
        %add3A_310 = arith.addf %add3A_286, %mul3A_309 : vector<16xf32>
        %jit3A_311 = arith.constant -5.000000e+00 : f32
        %jit3A_312 = arith.constant 5.000000e+00 : f32
        %max3A = vector.broadcast %jit3A_311 : f32 to vector<16xf32>
        %max3A_313 = arith.maximumf %max3A, %add3A_310 : vector<16xf32>
        %min3A = vector.broadcast %jit3A_312 : f32 to vector<16xf32>
        %min3A_314 = arith.minimumf %min3A, %max3A_313 : vector<16xf32>
        %exp3A = math.exp %min3A_314 : vector<16xf32>
        %swap3A_315 = arith.index_cast %scan3A_118 : i32 to index
        %swap3A_316 = arith.constant 0 : index
        %swap3A_317 = tpu.vector_load %arg15[%swap3A_315, %swap3A_316] {strides = array<i32>} : memref<80x16xf32, #tpu.memory_space<vmem>>, vector<16xf32>,
        tpu.vector_store %arg15[%swap3A_315, %swap3A_316], %exp3A {strides = array<i32>} : memref<80x16xf32, #tpu.memory_space<vmem>>, vector<16xf32>,
        %scan3A_318 = arith.constant 0 : i32
        scf.yield %scan3A_318 : i32
      }
      %scan3A_116 = arith.constant 80 : i32
      "tpu.region"() ({
        %run_scoped3A = tpu.sem_alloc : memref<!tpu.dma_semaphore, #tpu.memory_space<semaphore_mem>>
        %dma_start3A_118 = arith.constant 0 : i32
        %dma_start3A_119 = tpu.memref_slice %arg7[%add3A_91, %dma_start3A_118] : memref<320000x128xf32, #tpu.memory_space<hbm>> -> memref<80x128xf32, #tpu.memory_space<hbm>>
        %dma_start3A_120 = arith.constant 0 : i32
        %dma_start3A_121 = tpu.memref_slice %arg7[%add3A_91, %dma_start3A_120] : memref<320000x128xf32, #tpu.memory_space<hbm>> -> memref<80x128xf32, #tpu.memory_space<hbm>>
        tpu.enqueue_dma source(%arg14 : memref<80x128xf32, #tpu.memory_space<vmem>>) target(%dma_start3A_121 : memref<80x128xf32, #tpu.memory_space<hbm>>) target_semaphore(%run_scoped3A : memref<!tpu.dma_semaphore, #tpu.memory_space<semaphore_mem>>)
        %dma_wait3A_122 = arith.constant 0 : i32
        %dma_wait3A_123 = tpu.memref_slice %arg7[%add3A_91, %dma_wait3A_122] : memref<320000x128xf32, #tpu.memory_space<hbm>> -> memref<80x128xf32, #tpu.memory_space<hbm>>
        %dma_wait3A_124 = arith.constant 0 : i32
        %dma_wait3A_125 = tpu.memref_slice %arg7[%add3A_91, %dma_wait3A_124] : memref<320000x128xf32, #tpu.memory_space<hbm>> -> memref<80x128xf32, #tpu.memory_space<hbm>>
        tpu.wait_dma2 semaphore(%run_scoped3A : memref<!tpu.dma_semaphore, #tpu.memory_space<semaphore_mem>>) src(%arg14 : memref<80x128xf32, #tpu.memory_space<vmem>>) dst(%dma_wait3A_125 : memref<80x128xf32, #tpu.memory_space<hbm>>)
        tpu.yield
      }) : () -> ()
      "tpu.region"() ({
        %run_scoped3A = tpu.sem_alloc : memref<!tpu.dma_semaphore, #tpu.memory_space<semaphore_mem>>
        %dma_start3A_118 = arith.constant 0 : i32
        %dma_start3A_119 = arith.constant 0 : i32
        %dma_start3A_120 = tpu.memref_slice %arg17[%dma_start3A_118, %dma_start3A_119] : memref<10000x16xf32, #tpu.memory_space<vmem_shared>> -> memref<10000x16xf32, #tpu.memory_space<vmem_shared>>
        tpu.enqueue_indirect_dma source(%arg15 : memref<80x16xf32, #tpu.memory_space<vmem>>) target(%dma_start3A_120 : memref<10000x16xf32, #tpu.memory_space<vmem_shared>>) offsets(%arg9 : memref<80xi32, #tpu.memory_space<vmem>>) semaphore(%run_scoped3A : memref<!tpu.dma_semaphore, #tpu.memory_space<semaphore_mem>>) {add = true}
        %dma_wait3A_121 = arith.constant 0 : i32
        %dma_wait3A_122 = arith.constant 0 : i32
        %dma_wait3A_123 = tpu.memref_slice %arg17[%dma_wait3A_121, %dma_wait3A_122] : memref<10000x16xf32, #tpu.memory_space<vmem_shared>> -> memref<10000x16xf32, #tpu.memory_space<vmem_shared>>
        tpu.wait_indirect_dma semaphore(%run_scoped3A : memref<!tpu.dma_semaphore, #tpu.memory_space<semaphore_mem>>) src(%arg15 : memref<80x16xf32, #tpu.memory_space<vmem>>) dst(%dma_wait3A_123 : memref<10000x16xf32, #tpu.memory_space<vmem_shared>>)
        tpu.yield
      }) : () -> ()
      %scan3A_117 = arith.constant 0 : i32
      scf.yield %scan3A_117 : i32
    }
    %scan3A_80 = arith.constant 125 : i32
    %barrier3A_81 = arith.constant 0 : index
    tpu.barrier barrier_id(%barrier3A_81)
    %eq3A_82 = arith.constant 0 : i32
    %eq3A_83 = arith.cmpi eq, %arg1, %eq3A_82 : i32
    %convert_element_type3A = arith.extui %eq3A_83 : i1 to i32
    %cond3A = arith.constant 0 : i32
    %cond3A_84 = arith.cmpi ne, %convert_element_type3A, %cond3A : i32
    scf.if %cond3A_84 {
      "tpu.region"() ({
        %run_scoped3A = tpu.sem_alloc : memref<!tpu.dma_semaphore, #tpu.memory_space<semaphore_mem>>
        %dma_start3A = arith.constant 0 : i32
        %dma_start3A_85 = arith.constant 0 : i32
        %dma_start3A_86 = tpu.memref_slice %arg8[%arg0, %dma_start3A, %dma_start3A_85] : memref<2x10000x16xf32, #tpu.memory_space<hbm>> -> memref<1x10000x16xf32, #tpu.memory_space<hbm>>
        %dma_start3A_87 = tpu.memref_squeeze %dma_start3A_86 : memref<1x10000x16xf32, #tpu.memory_space<hbm>> -> memref<10000x16xf32, #tpu.memory_space<hbm>>
        tpu.enqueue_dma source(%arg17 : memref<10000x16xf32, #tpu.memory_space<vmem_shared>>) target(%dma_start3A_87 : memref<10000x16xf32, #tpu.memory_space<hbm>>) target_semaphore(%run_scoped3A : memref<!tpu.dma_semaphore, #tpu.memory_space<semaphore_mem>>)
        %dma_wait3A = arith.constant 0 : i32
        %dma_wait3A_88 = arith.constant 0 : i32
        %dma_wait3A_89 = tpu.memref_slice %arg8[%arg0, %dma_wait3A, %dma_wait3A_88] : memref<2x10000x16xf32, #tpu.memory_space<hbm>> -> memref<1x10000x16xf32, #tpu.memory_space<hbm>>
        %dma_wait3A_90 = tpu.memref_squeeze %dma_wait3A_89 : memref<1x10000x16xf32, #tpu.memory_space<hbm>> -> memref<10000x16xf32, #tpu.memory_space<hbm>>
        tpu.wait_dma2 semaphore(%run_scoped3A : memref<!tpu.dma_semaphore, #tpu.memory_space<semaphore_mem>>) src(%arg17 : memref<10000x16xf32, #tpu.memory_space<vmem_shared>>) dst(%dma_wait3A_90 : memref<10000x16xf32, #tpu.memory_space<hbm>>)
        tpu.yield
      }) : () -> ()
    } else {
    }
    return
  }
}

module attributes {stable_mosaic.version = 14 : i64} {
  func.func @_matmul_bias_body(%arg0: i32, %arg1: memref<1000x128xf32, #tpu.memory_space<vmem>>, %arg2: memref<128x384xf32, #tpu.memory_space<vmem>>, %arg3: memref<1x384xf32, #tpu.memory_space<vmem>>, %arg4: memref<1000x384xf32, #tpu.memory_space<vmem>>) attributes {dimension_semantics = [#tpu.dimension_semantics<arbitrary>], iteration_bounds = array<i64: 10>, scalar_prefetch = 0 : i64, scratch_operands = 0 : i64, tpu.core_type = #tpu.core_type<tc>, window_params = [{transform_indices = @transform_0, window_bounds = array<i64: 1000, 128>}, {pipeline_mode = #tpu.pipeline_mode<synchronous>, transform_indices = @transform_1, window_bounds = array<i64: 128, 384>}, {pipeline_mode = #tpu.pipeline_mode<synchronous>, transform_indices = @transform_2, window_bounds = array<i64: 1, 384>}, {transform_indices = @transform_3, window_bounds = array<i64: 1000, 384>}]} {
    %get3A = arith.constant 0 : index
    %get3A_0 = arith.constant 0 : index
    %get3A_1 = vector.load %arg1[%get3A, %get3A_0] : memref<1000x128xf32, #tpu.memory_space<vmem>>, vector<1000x128xf32>
    %get3A_2 = arith.constant 0 : index
    %get3A_3 = arith.constant 0 : index
    %get3A_4 = vector.load %arg2[%get3A_2, %get3A_3] : memref<128x384xf32, #tpu.memory_space<vmem>>, vector<128x384xf32>
    %dot_general3A = arith.constant dense<0.000000e+00> : vector<1000x384xf32>
    %dot_general3A_5 = tpu.matmul %get3A_1, %get3A_4, %dot_general3A {dimension_numbers = #tpu.dot_dimension_numbers<[1], [0], [0], [1], [0, 0, 1, 1], [], []>, transpose_lhs_hint = false} : vector<1000x128xf32>, vector<128x384xf32>, vector<1000x384xf32> -> vector<1000x384xf32>
    %get3A_6 = arith.constant 0 : index
    %get3A_7 = arith.constant 0 : index
    %get3A_8 = vector.load %arg3[%get3A_6, %get3A_7] : memref<1x384xf32, #tpu.memory_space<vmem>>, vector<1x384xf32>
    %add3A = vector.broadcast %get3A_8 : vector<1x384xf32> to vector<1000x384xf32>
    %add3A_9 = arith.addf %dot_general3A_5, %add3A : vector<1000x384xf32>
    %swap3A = arith.constant 0 : index
    %swap3A_10 = arith.constant 0 : index
    %swap3A_11 = vector.load %arg4[%swap3A, %swap3A_10] : memref<1000x384xf32, #tpu.memory_space<vmem>>, vector<1000x384xf32>
    tpu.vector_store %arg4[%swap3A, %swap3A_10], %add3A_9 {strides = array<i32>} : memref<1000x384xf32, #tpu.memory_space<vmem>>, vector<1000x384xf32>,
    return
  }
  func.func @transform_0(%arg0: i32) -> (i32, i32) {
    %c0_i32 = arith.constant 0 : i32
    %c0_i32_0 = arith.constant 0 : i32
    return %arg0, %c0_i32 : i32, i32
  }
  func.func @transform_1(%arg0: i32) -> (i32, i32) {
    %c0_i32 = arith.constant 0 : i32
    %c0_i32_0 = arith.constant 0 : i32
    %c0_i32_1 = arith.constant 0 : i32
    return %c0_i32, %c0_i32_0 : i32, i32
  }
  func.func @transform_2(%arg0: i32) -> (i32, i32) {
    %c0_i32 = arith.constant 0 : i32
    %c0_i32_0 = arith.constant 0 : i32
    %c0_i32_1 = arith.constant 0 : i32
    return %c0_i32, %c0_i32_0 : i32, i32
  }
  func.func @transform_3(%arg0: i32) -> (i32, i32) {
    %c0_i32 = arith.constant 0 : i32
    %c0_i32_0 = arith.constant 0 : i32
    return %arg0, %c0_i32 : i32, i32
  }
}

module attributes {stable_mosaic.version = 14 : i64} {
  func.func @_matmul_bias_body(%arg0: i32, %arg1: memref<8000x16xf32, #tpu.memory_space<vmem>>, %arg2: memref<16x128xf32, #tpu.memory_space<vmem>>, %arg3: memref<1x128xf32, #tpu.memory_space<vmem>>, %arg4: memref<8000x128xf32, #tpu.memory_space<vmem>>) attributes {dimension_semantics = [#tpu.dimension_semantics<arbitrary>], iteration_bounds = array<i64: 40>, scalar_prefetch = 0 : i64, scratch_operands = 0 : i64, tpu.core_type = #tpu.core_type<tc>, window_params = [{transform_indices = @transform_0, window_bounds = array<i64: 8000, 16>}, {pipeline_mode = #tpu.pipeline_mode<synchronous>, transform_indices = @transform_1, window_bounds = array<i64: 16, 128>}, {pipeline_mode = #tpu.pipeline_mode<synchronous>, transform_indices = @transform_2, window_bounds = array<i64: 1, 128>}, {transform_indices = @transform_3, window_bounds = array<i64: 8000, 128>}]} {
    %get3A = arith.constant 0 : index
    %get3A_0 = arith.constant 0 : index
    %get3A_1 = vector.load %arg1[%get3A, %get3A_0] : memref<8000x16xf32, #tpu.memory_space<vmem>>, vector<8000x16xf32>
    %get3A_2 = arith.constant 0 : index
    %get3A_3 = arith.constant 0 : index
    %get3A_4 = vector.load %arg2[%get3A_2, %get3A_3] : memref<16x128xf32, #tpu.memory_space<vmem>>, vector<16x128xf32>
    %dot_general3A = arith.constant dense<0.000000e+00> : vector<8000x128xf32>
    %dot_general3A_5 = tpu.matmul %get3A_1, %get3A_4, %dot_general3A {dimension_numbers = #tpu.dot_dimension_numbers<[1], [0], [0], [1], [0, 0, 1, 1], [], []>, transpose_lhs_hint = false} : vector<8000x16xf32>, vector<16x128xf32>, vector<8000x128xf32> -> vector<8000x128xf32>
    %get3A_6 = arith.constant 0 : index
    %get3A_7 = arith.constant 0 : index
    %get3A_8 = vector.load %arg3[%get3A_6, %get3A_7] : memref<1x128xf32, #tpu.memory_space<vmem>>, vector<1x128xf32>
    %add3A = vector.broadcast %get3A_8 : vector<1x128xf32> to vector<8000x128xf32>
    %add3A_9 = arith.addf %dot_general3A_5, %add3A : vector<8000x128xf32>
    %swap3A = arith.constant 0 : index
    %swap3A_10 = arith.constant 0 : index
    %swap3A_11 = vector.load %arg4[%swap3A, %swap3A_10] : memref<8000x128xf32, #tpu.memory_space<vmem>>, vector<8000x128xf32>
    tpu.vector_store %arg4[%swap3A, %swap3A_10], %add3A_9 {strides = array<i32>} : memref<8000x128xf32, #tpu.memory_space<vmem>>, vector<8000x128xf32>,
    return
  }
  func.func @transform_0(%arg0: i32) -> (i32, i32) {
    %c0_i32 = arith.constant 0 : i32
    %c0_i32_0 = arith.constant 0 : i32
    return %arg0, %c0_i32 : i32, i32
  }
  func.func @transform_1(%arg0: i32) -> (i32, i32) {
    %c0_i32 = arith.constant 0 : i32
    %c0_i32_0 = arith.constant 0 : i32
    %c0_i32_1 = arith.constant 0 : i32
    return %c0_i32, %c0_i32_0 : i32, i32
  }
  func.func @transform_2(%arg0: i32) -> (i32, i32) {
    %c0_i32 = arith.constant 0 : i32
    %c0_i32_0 = arith.constant 0 : i32
    %c0_i32_1 = arith.constant 0 : i32
    return %c0_i32, %c0_i32_0 : i32, i32
  }
  func.func @transform_3(%arg0: i32) -> (i32, i32) {
    %c0_i32 = arith.constant 0 : i32
    %c0_i32_0 = arith.constant 0 : i32
    return %arg0, %c0_i32 : i32, i32
  }
}

module attributes {stable_mosaic.version = 14 : i64} {
  func.func @_finish_body(%arg0: i32, %arg1: memref<1000x128xf32, #tpu.memory_space<vmem>>, %arg2: memref<2x1000x16xf32, #tpu.memory_space<vmem>>, %arg3: memref<16x128xf32, #tpu.memory_space<vmem>>, %arg4: memref<16x128xf32, #tpu.memory_space<vmem>>, %arg5: memref<1000x128xf32, #tpu.memory_space<vmem>>) attributes {dimension_semantics = [#tpu.dimension_semantics<arbitrary>], iteration_bounds = array<i64: 10>, scalar_prefetch = 0 : i64, scratch_operands = 0 : i64, tpu.core_type = #tpu.core_type<tc>, window_params = [{transform_indices = @transform_0, window_bounds = array<i64: 1000, 128>}, {transform_indices = @transform_1, window_bounds = array<i64: 2, 1000, 16>}, {pipeline_mode = #tpu.pipeline_mode<synchronous>, transform_indices = @transform_2, window_bounds = array<i64: 16, 128>}, {pipeline_mode = #tpu.pipeline_mode<synchronous>, transform_indices = @transform_3, window_bounds = array<i64: 16, 128>}, {transform_indices = @transform_4, window_bounds = array<i64: 1000, 128>}]} {
    %get3A = arith.constant 0 : index
    %get3A_0 = arith.constant 0 : index
    %get3A_1 = arith.constant 0 : index
    %get3A_2 = vector.load %arg2[%get3A, %get3A_0, %get3A_1] : memref<2x1000x16xf32, #tpu.memory_space<vmem>>, vector<1x1000x16xf32>
    %get3A_3 = vector.shape_cast %get3A_2 : vector<1x1000x16xf32> to vector<1000x16xf32>
    %get3A_4 = arith.constant 1 : index
    %get3A_5 = arith.constant 0 : index
    %get3A_6 = arith.constant 0 : index
    %get3A_7 = vector.load %arg2[%get3A_4, %get3A_5, %get3A_6] : memref<2x1000x16xf32, #tpu.memory_space<vmem>>, vector<1x1000x16xf32>
    %get3A_8 = vector.shape_cast %get3A_7 : vector<1x1000x16xf32> to vector<1000x16xf32>
    %add3A = arith.addf %get3A_3, %get3A_8 : vector<1000x16xf32>
    %get3A_9 = arith.constant 0 : index
    %get3A_10 = arith.constant 0 : index
    %get3A_11 = vector.load %arg3[%get3A_9, %get3A_10] : memref<16x128xf32, #tpu.memory_space<vmem>>, vector<16x128xf32>
    %dot_general3A = arith.constant dense<0.000000e+00> : vector<1000x128xf32>
    %dot_general3A_12 = tpu.matmul %add3A, %get3A_11, %dot_general3A {dimension_numbers = #tpu.dot_dimension_numbers<[1], [0], [0], [1], [0, 0, 1, 1], [], []>, transpose_lhs_hint = false} : vector<1000x16xf32>, vector<16x128xf32>, vector<1000x128xf32> -> vector<1000x128xf32>
    %get3A_13 = arith.constant 0 : index
    %get3A_14 = arith.constant 0 : index
    %get3A_15 = vector.load %arg4[%get3A_13, %get3A_14] : memref<16x128xf32, #tpu.memory_space<vmem>>, vector<16x128xf32>
    %dot_general3A_16 = arith.constant dense<0.000000e+00> : vector<1000x128xf32>
    %dot_general3A_17 = tpu.matmul %add3A, %get3A_15, %dot_general3A_16 {dimension_numbers = #tpu.dot_dimension_numbers<[1], [0], [0], [1], [0, 0, 1, 1], [], []>, transpose_lhs_hint = false} : vector<1000x16xf32>, vector<16x128xf32>, vector<1000x128xf32> -> vector<1000x128xf32>
    %gt3A = arith.constant 0.000000e+00 : f32
    %gt3A_18 = vector.broadcast %gt3A : f32 to vector<1000x128xf32>
    %gt3A_19 = arith.cmpf ogt, %dot_general3A_17, %gt3A_18 : vector<1000x128xf32>
    %max3A = arith.constant 1.000000e+00 : f32
    %max3A_20 = vector.broadcast %max3A : f32 to vector<1000x128xf32>
    %max3A_21 = arith.maximumf %dot_general3A_17, %max3A_20 : vector<1000x128xf32>
    %div3A = arith.divf %dot_general3A_12, %max3A_21 : vector<1000x128xf32>
    %jit3A = arith.constant 0.000000e+00 : f32
    %broadcast_in_dim3A = vector.broadcast %jit3A : f32 to vector<1000x128xf32>
    %select_n3A = arith.select %gt3A_19, %div3A, %broadcast_in_dim3A : vector<1000x128xi1>, vector<1000x128xf32>
    %get3A_22 = arith.constant 0 : index
    %get3A_23 = arith.constant 0 : index
    %get3A_24 = vector.load %arg1[%get3A_22, %get3A_23] : memref<1000x128xf32, #tpu.memory_space<vmem>>, vector<1000x128xf32>
    %mul3A = arith.mulf %get3A_24, %dot_general3A_12 : vector<1000x128xf32>
    %add3A_25 = arith.constant 9.99999997E-7 : f32
    %add3A_26 = vector.broadcast %add3A_25 : f32 to vector<1000x128xf32>
    %add3A_27 = arith.addf %select_n3A, %add3A_26 : vector<1000x128xf32>
    %div3A_28 = arith.divf %mul3A, %add3A_27 : vector<1000x128xf32>
    %swap3A = arith.constant 0 : index
    %swap3A_29 = arith.constant 0 : index
    %swap3A_30 = vector.load %arg5[%swap3A, %swap3A_29] : memref<1000x128xf32, #tpu.memory_space<vmem>>, vector<1000x128xf32>
    tpu.vector_store %arg5[%swap3A, %swap3A_29], %div3A_28 {strides = array<i32>} : memref<1000x128xf32, #tpu.memory_space<vmem>>, vector<1000x128xf32>,
    return
  }
  func.func @transform_0(%arg0: i32) -> (i32, i32) {
    %c0_i32 = arith.constant 0 : i32
    %c0_i32_0 = arith.constant 0 : i32
    return %arg0, %c0_i32 : i32, i32
  }
  func.func @transform_1(%arg0: i32) -> (i32, i32, i32) {
    %c0_i32 = arith.constant 0 : i32
    %c0_i32_0 = arith.constant 0 : i32
    %c0_i32_1 = arith.constant 0 : i32
    return %c0_i32, %arg0, %c0_i32_0 : i32, i32, i32
  }
  func.func @transform_2(%arg0: i32) -> (i32, i32) {
    %c0_i32 = arith.constant 0 : i32
    %c0_i32_0 = arith.constant 0 : i32
    %c0_i32_1 = arith.constant 0 : i32
    return %c0_i32, %c0_i32_0 : i32, i32
  }
  func.func @transform_3(%arg0: i32) -> (i32, i32) {
    %c0_i32 = arith.constant 0 : i32
    %c0_i32_0 = arith.constant 0 : i32
    %c0_i32_1 = arith.constant 0 : i32
    return %c0_i32, %c0_i32_0 : i32, i32
  }
  func.func @transform_4(%arg0: i32) -> (i32, i32) {
    %c0_i32 = arith.constant 0 : i32
    %c0_i32_0 = arith.constant 0 : i32
    return %arg0, %c0_i32 : i32, i32
  }
}

</mosaic_0001>

<sc_bundles>
// kernel: kernel.6.cloned.1.call-start
scs
__scs_entry_jumppad:
0x0: {  	(pc) =	sbr.rel $0x88, $3  }
0x1: {  	(tag) =	ssettag $0x0;
	lr =	simm.s32 $0x1  }
0x2: {  	[smem:$0x3F96] =	sst lr;
	_ =	strace $0xD0000000  }
0x3: {  	_ = 	snop  }
0x4: {  	_ = 	snop  }
0x5: {  	_ = 	snop  }
0x6: {  	_ = 	snop  }
0x7: {  	_ = 	snop  }
__scs_overlays_trampoline_lowered:
0x8: {  	[smem:$0x3FA5] =	sst s0  }
0x9: {  	[smem:$0x3FA6] =	sst s1  }
0xa: {  	[smem:$0x3FA7] =	sst s2  }
0xb: {  	[smem:$0x3FA8] =	sst s3  }
0xc: {  	[smem:$0x3FA9] =	sst s4  }
0xd: {  	[smem:$0x3FAA] =	sst s5  }
0xe: {  	[smem:$0x3FAB] =	sst s6  }
0xf: {  	[smem:$0x3FAC] =	sst s7  }
0x10: {  	[smem:$0x3FAD] =	sst s8  }
0x11: {  	[smem:$0x3FAE] =	sst s9;
	s0 =	simm.s32 @!p0 $0x0  }
0x12: {  	s1 =	sld [smem:$0x3F94];
	s0 =	simm.s32 @p0 $0x1  }
0x13: {  	[smem:$0x3FAF] =	sst s0;
	s0 =	simm.s32 @!p1 $0x0  }
0x14: {  	s2 =	sld [smem:$0x3F93];
	s0 =	simm.s32 @p1 $0x1  }
0x15: {  	[smem:$0x3FB0] =	sst s0;
	s0 =	simm.s32 @!p2 $0x0  }
0x16: {  	s3 =	sld [smem:$0x3FDB];
	s0 =	simm.s32 @p2 $0x1  }
0x17: {  	s4 =	simm.s32 $0x1BF5;
	[smem:$0x3FB2] =	sst s0  }
0x18: {  	s0 =	sld [smem:$0x3F95];
	_ =	swait.ge [sflag:s4], $0x0  }
0x19: {  	s7 =	sld [smem:$0x3F96]  }
0x1a: {  	s8 =	sadd.s32 $0xFFFFE003, lr  }
0x1b: {  	s9 =	sadd.s32 $0xFFFFFEF7, lr;
	s5 =	simm.s32 $0xFFFFFFFF;
	p2 =	slt.u32 s8, $0xFFFFF086  }
0x1c: {  	p1 =	slt.u32 s9, $0xF7A;
	s5 =	simm.s32 @!p2 $0x0  }
0x1d: {  	s5 =	simm.s32 @p1 $0x1;
	p0 =	seq.s32 s7, s2  }
0x1e: {  	s7 =	smul.u32 @!p0 $0xF7A, s2;
	p2 =	seq.s32 @!p0 s5, $0x0  }
0x1f: {  	s9 =	smul.u32 $0xF7A, s1;
	s8 =	simm.s32 @!p0 $0x1BF5;
	p2 =	por !p2, p0  }
0x20: {  	[sflag:s8] =	ssyncset.s32 @!p0 $0xFFFFF086;
	s6 =	sadd.s32 @!p0 s3, s7;
	s7 =	simm.s32 @!p0 $0x108  }
0x21: {  	s3 =	sadd.s32 s3, s9;
	s6 =	sadd.s32 @!p0 $0x88, s6;
	s7 =	simm.s32 @p2 $0x1082  }
0x22: {  	[simem:s7], [sflag:s8] =	dma.local @!p0 [hbm:s6], $0xF7A  }
0x23: {  	s9 =	sor.u32 $0xD0000000, s2;
	s6 =	simm.s32 $0x108;
	_ =	swait.ge @!p0 [sflag:s8], $0x0  }
0x24: {  	s3 =	sadd.s32 $0x88, s3;
	s6 =	simm.s32 @!p1 $0x1082;
	[sflag:s4] =	ssyncset.s32 $0xFFFFF086  }
0x25: {  	[simem:s6], [sflag:s4] =	dma.local [hbm:s3], $0xF7A  }
0x26: {  	[smem:$0x3F96] =	sst s1;
	(tag) =	ssettag s2;
	_ =	strace s9  }
0x27: {  	s1 =	sld [smem:$0x3FA6]  }
0x28: {  	s2 =	sld [smem:$0x3FA7]  }
0x29: {  	s4 =	sld [smem:$0x3FA9]  }
0x2a: {  	p0 =	seq.s32 s5, $0x0;
	s5 =	sld [smem:$0x3FAA]  }
0x2b: {  	s6 =	sld [smem:$0x3FAB]  }
0x2c: {  	s7 =	sld [smem:$0x3FAC]  }
0x2d: {  	s3 =	simm.s32 $0x108;
	s8 =	sld [smem:$0x3FAD]  }
0x2e: {  	s3 =	simm.s32 @!p0 $0x1082;
	s9 =	sld [smem:$0x3FAE]  }
0x2f: {  	lr =	sadd.s32 s0, s3;
	s0 =	sld [smem:$0x3FA5]  }
0x30: {  	s3 =	sld [smem:$0x3FA8]  }
0x31: {  	[smem:$0x3FB1] =	sst s10  }
0x32: {  	s10 =	sld [smem:$0x3FAF];
	_ =	sdelay $0x3  }
0x33: {  	p0 =	seq.s32 s10, $0x1;
	s10 =	sld [smem:$0x3FB1];
	_ =	sdelay $0x3  }
0x34: {  	[smem:$0x3FB1] =	sst s10  }
0x35: {  	s10 =	sld [smem:$0x3FB0];
	_ =	sdelay $0x3  }
0x36: {  	p1 =	seq.s32 s10, $0x1;
	s10 =	sld [smem:$0x3FB1];
	_ =	sdelay $0x3  }
0x37: {  	[smem:$0x3FB1] =	sst s10  }
0x38: {  	s10 =	sld [smem:$0x3FB2]  }
0x39: {  	_ = 	snop;
	(pc) =	sbr.ind lr, $3  }
0x3a: {  	_ = 	snop  }
0x3b: {  	_ = 	snop  }
0x3c: {  	p2 =	seq.s32 s10, $0x1;
	s10 =	sld [smem:$0x3FB1]  }
0x3d: {  	_ =	shalt  }
0x3e: {  	_ =	shalt  }
0x3f: {  	_ =	shalt  }
0x40: {  	_ =	shalt  }
0x41: {  	_ =	shalt  }
0x42: {  	_ =	shalt  }
0x43: {  	_ =	shalt  }
0x44: {  	_ =	shalt  }
0x45: {  	_ =	shalt  }
0x46: {  	_ =	shalt  }
0x47: {  	_ =	shalt  }
0x48: {  	_ =	shalt  }
0x49: {  	_ =	shalt  }
0x4a: {  	_ =	shalt  }
0x4b: {  	_ =	shalt  }
0x4c: {  	_ =	shalt  }
0x4d: {  	_ =	shalt  }
0x4e: {  	_ =	shalt  }
0x4f: {  	_ =	shalt  }
0x50: {  	_ =	shalt  }
0x51: {  	_ =	shalt  }
0x52: {  	_ =	shalt  }
0x53: {  	_ =	shalt  }
0x54: {  	_ =	shalt  }
0x55: {  	_ =	shalt  }
0x56: {  	_ =	shalt  }
0x57: {  	_ =	shalt  }
0x58: {  	_ =	shalt  }
0x59: {  	_ =	shalt  }
0x5a: {  	_ =	shalt  }
0x5b: {  	_ =	shalt  }
0x5c: {  	_ =	shalt  }
0x5d: {  	_ =	shalt  }
0x5e: {  	_ =	shalt  }
0x5f: {  	_ =	shalt  }
0x60: {  	_ =	shalt  }
0x61: {  	_ =	shalt  }
0x62: {  	_ =	shalt  }
0x63: {  	_ =	shalt  }
0x64: {  	_ =	shalt  }
0x65: {  	_ =	shalt  }
0x66: {  	_ =	shalt  }
0x67: {  	_ =	shalt  }
0x68: {  	_ =	shalt  }
0x69: {  	_ =	shalt  }
0x6a: {  	_ =	shalt  }
0x6b: {  	_ =	shalt  }
0x6c: {  	_ =	shalt  }
0x6d: {  	_ =	shalt  }
0x6e: {  	_ =	shalt  }
0x6f: {  	_ =	shalt  }
0x70: {  	_ =	shalt  }
0x71: {  	_ =	shalt  }
0x72: {  	_ =	shalt  }
0x73: {  	_ =	shalt  }
0x74: {  	_ =	shalt  }
0x75: {  	_ =	shalt  }
0x76: {  	_ =	shalt  }
0x77: {  	_ =	shalt  }
0x78: {  	_ =	shalt  }
0x79: {  	_ =	shalt  }
0x7a: {  	_ =	shalt  }
0x7b: {  	_ =	shalt  }
0x7c: {  	_ =	shalt  }
0x7d: {  	_ =	shalt  }
0x7e: {  	_ =	shalt  }
0x7f: {  	_ =	shalt  }
0x80: {  	_ =	shalt  }
0x81: {  	_ =	shalt  }
0x82: {  	_ =	shalt  }
0x83: {  	_ =	shalt  }
0x84: {  	_ =	shalt  }
0x85: {  	_ =	shalt  }
0x86: {  	_ =	shalt  }
0x87: {  	_ =	shalt  }
.Lfunc_end0:
.L_simem_size_0:
called_computation.1_lowered:
.L_overlay_start_0:
0x88: {  	s2 =	sld [smem:$0x3FD9]  }
0x89: {  	s3 =	sld [smem:$0x3FFE];
	_ =	sdelay $0x1  }
0x8a: {  	s1 =	srdreg.scid  }
0x8b: {  	s0 =	sand.u32 $0x1, s1  }
0x8c: {  	s14 =	sshll.u32 s0, $0xA;
	s2 =	sadd.s32 s3, s2  }
0x8d: {  	s2 =	sadd.s32 s2, s14  }
0x8e: {  	[smem:$0x3FBD] =	sst s2  }
0x8f: {  	_ = 	snop  }
0x90: {  	s2 =	sld [smem:$0x3FD0];
	_ =	sdelay $0x2  }
0x91: {  	s15 =	simm.s32 $0xA;
	s4 =	simm.s32 $0x10  }
0x92: {  	[smem:s4], [sflag:s15] =	dma.local [hbm:s2], $0x1  }
0x93: {  	_ =	swait.eq [sflag:s15], $0x1  }
0x94: {  	[sflag:s15] =	ssyncset.done $0x0  }
0x95: {  	[sflag:s15] =	ssyncadd.s32 $0xFFFFFFFF  }
0x96: {  	s16 =	sld [smem:$0x10];
	(tm) =	ssettm $0x1  }
0x97: {  	s17 =	sld [smem:$0x3FFB];
	_ =	sdelay $0x3  }
0x98: {  	_ =	strace s17  }
0x99: {  	s3 =	sld [smem:$0x3FFC];
	_ =	sdelay $0x3  }
0x9a: {  	_ =	strace s3  }
0x9b: {  	s3 =	sld [smem:$0x3FFD];
	_ =	sdelay $0x3  }
0x9c: {  	_ =	strace s3  }
0x9d: {  	_ =	strace $0x8FFFFFFF  }
0x9e: {  	s18 =	sld [smem:$0x3FDB];
	_ =	sdelay $0x1  }
0x9f: {  	s19 =	simm.s32 $_scs_section_size  }
0xa0: {  	s5 =	simm.s32 $_size__tile_overlayer_lowered;
	s6 =	simm.s32 $_tile_overlayer_lowered  }
0xa1: {  	s22 =	simm.s32 $0x1BFF;
	s21 =	sshll.u32 s6, $0x1;
	s3 =	sadd.s32 s19, s18  }
0xa2: {  	s7 =	simm.s32 $0x0;
	s20 =	sshll.u32 s5, $0x1;
	s5 =	sadd.s32 s21, s3  }
0xa3: {  	[timem:s7], [sflag:s22] =	dma.local [hbm:s5], s20  }
0xa4: {  	_ =	swait.ge [sflag:s22], s20  }
0xa5: {  	s4 =	ssub.s32 $0x0, s20;
	[sflag:s22] =	ssyncset.done $0x0  }
0xa6: {  	[sflag:s22] =	ssyncadd.s32 s4;
	_ =	sdelay $0x1  }
0xa7: {  	s23 =	simm.s32 $0x1B8B  }
0xa8: {  	_ =	swait.ge [sflag:s23], $0x1  }
0xa9: {  	[sflag:s23] =	ssyncset.done $0x0  }
0xaa: {  	s25 =	simm.s32 $0x1B8E;
	s24 =	sld [smem:$0x3FFE];
	[sflag:s23] =	ssyncadd.s32 $0xFFFFFFFF  }
0xab: {  	s26 =	simm.s32 $execute0_lowered;
	[smem:$0x3FD2] =	sst s25  }
0xac: {  	s5 =	sshll.u32 s26, $0x1;
	_ =	strace $0x80000046;
	[dreg:$0x1] =	wrdreg $0xFFFFFFFF  }
0xad: {  	s28 =	simm.s32 $_size_execute0_lowered;
	s3 =	sadd.s32 s3, s5;
	[dreg:$0x0] =	wrdreg $0x0  }
0xae: {  	s5 =	sshll.u32 s28, $0x1;
	[dreg:$0x2] =	wrdreg s3  }
0xaf: {  	[dreg:$0x3] =	wrdreg s5  }
0xb0: {  	[dreg:$0x4] =	wrdreg $0xC0  }
0xb1: {  	_ =	task [dreg:s7], $0x5FFFF  }
0xb2: {  	[dreg:$0x1] =	wrdreg $0xFFFFFFFF  }
0xb3: {  	[dreg:$0x0] =	wrdreg $0x60  }
0xb4: {  	[dreg:$0x2] =	wrdreg s24  }
0xb5: {  	[dreg:$0x3] =	wrdreg s16  }
0xb6: {  	[dreg:$0x4] =	wrdreg $0xAD700  }
0xb7: {  	[dreg:$0x5] =	wrdreg $0x9  }
0xb8: {  	_ =	task.clear_ibuf [dreg:s7], $0x6FFFF;
	_ =	strace $0x90000046  }
0xb9: {  	s29 =	simm.s32 $0x9;
	_ =	strace $0x80000048  }
0xba: {  	_ =	swait.ge [sflag:s29], $0x1  }
0xbb: {  	[sflag:s29] =	ssyncadd.s32 $0xFFFFFFFF  }
0xbc: {  	_ =	strace $0x90000048  }
0xbd: {  	_ =	sfence  }
0xbe: {  	s30 =	sld [smem:$0x0];
	_ =	sdelay $0x2  }
0xbf: {  	s31 =	sshll.u32 s1, $0xD;
	s1 =	sshrl.u32 s1, $0x2  }
0xc0: {  	s3 =	sand.u32 $0x4000, s31;
	s1 =	sadd.s32 s1, s30  }
0xc1: {  	s0 =	sor.u32 s3, s0;
	s1 =	sshll.u32 s1, $0x11  }
0xc2: {  	s0 =	sor.u32 s1, s0  }
0xc3: {  	s0 =	sadd.s32 $0x8F2B, s0  }
0xc4: {  	[sflag:s0] =	ssyncadd.remote.s32 $0x1  }
0xc5: {  	_ =	sfence.sel $0xFFFF  }
0xc6: {  	[dreg:$0x0] =	wrdreg $0xFFFFFFFF;
	(pc) =	sbr.abs _section_cstart, $3  }
0xc7: {  	[dreg:$0x1] =	wrdreg $0xFFFFFFFF  }
0xc8: {  	_ =	task.clear_ibuf [dreg:s7], $0x2FFFF;
	_ =	strace $0x9FFFFFFF  }
0xc9: {  	(tm) =	ssettm $0x7FFFFFFF  }
tec
execute0_lowered:
.L_overlay_start_1:
0x0: {  	(tag) =	ssettag $0x1  }
0x1: {  	s0 =	rddreg [dreg:$0x0]  }
0x2: {  	s1 =	rddreg [dreg:$0x1]  }
0x3: {  	s2 =	rddreg [dreg:$0x2];
	s3 =	simm.s32 $0x0  }
0x4: {  	s7 =	srdreg.scid;
	s12 =	stileid.u32;
	s17 =	simm.s32 $0xA5A0  }
0x5: {  	s18 =	simm.s32 $0x4;
	s19 =	simm.s32 $0x50;
	s20 =	simm.s32 $0xA0  }
0x6: {  	s21 =	simm.s32 $0x28A0;
	s22 =	simm.s32 $0x50A0;
	s28 =	simm.s32 $0xA0A0  }
0x7: {  	s29 =	simm.s32 $0x0;
	s30 =	simm.s32 $0x0;
	[smem:$0x7FF] =	sst s3  }
0x8: {  	s4 =	sadd.s32 $0xB800, s0;
	s5 =	sadd.s32 $0x1A00, s0;
	s6 =	sadd.s32 $0x15600, s0  }
0x9: {  	s9 =	sand.u32 $0x1, s7;
	s7 =	sadd.s32 $0x63A00, s0;
	s8 =	sadd.s32 $0x54F800, s0  }
0xa: {  	s13 =	smul.u32 $0x9C40, s12;
	p0 =	sne.s32 s12, $0x0;
	_ =	strace $0x80000047  }
0xb: {  	s10 =	smul.u32 $0x4E20, s9;
	s11 =	ssub.s32 $0x2, s9;
	s9 =	sshll.u32 s9, $0x4  }
0xc: {  	s23 =	sshrl.u32 s11, $0x1;
	s9 =	sor.u32 s12, s9;
	s24 =	sshrl.u32 s13, $0x2  }
0xd: {  	v0 =	vimm.f32 $0.0e+00;
	vm0 =	vcmask $0x300;
	s0 =	sadd.s32 s10, s0;
	s10 =	ssub.s32 s11, s23;
	s9 =	smul.u32 $0x2710, s9  }
0xe: {  	vm1 =	vcmask $0x704;
	vm11 =	vcmask $0xB08;
	vm12 =	vcmask $0xF0C;
	s11 =	sadd.s32 s24, s2;
	s23 =	simm.s32 $0x1;
	s0 =	sadd.s32 $0x545A00, s0  }
0xf: {  	vm2 =	vcmask $0x1310;
	vm13 =	vcmask $0x1714;
	vm14 =	vcmask $0x1B18;
	s24 =	simm.s32 $0x2;
	s25 =	smax.u32 s10, $0x1;
	[dreg:$0x4] =	wrdreg s0  }
0x10: {  	vm15 =	vcmask $0x1F1C;
	v1 =	vsel vm0, $0x3F800000, v0;
	v2 =	vsel vm1, $0x3F800000, v0;
	s26 =	sadd.s32 $0x7D0, s11;
	s31 =	sadd.s32 $0xFA0, s11;
	[dreg:$0x5] =	wrdreg s25  }
0x11: {  	v3 =	vsel vm11, $0x3F800000, v0;
	v4 =	vsel vm12, $0x3F800000, v0;
	v5 =	vsel vm2, $0x3F800000, v0;
	s15 =	sadd.s32 $0x1770, s11;
	s16 =	sadd.s32 $0x1F40, s11;
	[dreg:$0x6] =	wrdreg s26  }
0x12: {  	v6 =	vsel vm13, $0x3F800000, v0;
	v7 =	vsel vm14, $0x3F800000, v0;
	v8 =	vsel vm15, $0x3F800000, v0;
	[dreg:$0x7] =	wrdreg s31;
	s25 =	simm.s32 $0x3;
	s26 =	simm.s32 $0x78A0  }
.LBB2_1:
0x13: {  	s0 =	simm.s32 $0x40;
	s10 =	simm.s32 $0x0  }
.LBB2_2:
0x14: {  	p1 =	sne.s32 s0, $0x1F00;
	[tilespmem:s10+$0xA5A0] =	vst v0;
	s10 =	smov.u32 s0;
	s0 =	sadd.s32 $0x40, s0  }
.Ltmp0:
0x15: {  	(pc) =	sbr.rel @p1 .LBB2_2-.Ltmp0, $2  }
0x16: {  	_ =	sdelay $0x2  }
0x17: {  	s10 =	sshra.s32 s10, $0x2  }
0x18: {  	[tilespmem:s10+$0xA5A0] =	vst v0  }
0x19: {  	[spmem:s11] =	stream.linear.scatter [tilespmem:s17], [sflag:$0x4], $0x7D0, $0x38;
	[tilespmem:$0xD480] =	vst v63  }
0x1a: {  	_ =	swait.ge [sflag:s18], $0x7D0  }
0x1b: {  	[sflag:s18] =	ssyncset.done $0x0  }
0x1c: {  	s0 =	rddreg [dreg:$0x6];
	[sflag:s18] =	ssyncadd.s32 $0xFFFFF830  }
0x1d: {  	[spmem:s0] =	stream.linear.scatter [tilespmem:s17], [sflag:$0x4], $0x7D0, $0x38;
	[tilespmem:$0xD480] =	vst v63  }
0x1e: {  	_ =	swait.ge [sflag:s18], $0x7D0  }
0x1f: {  	[sflag:s18] =	ssyncset.done $0x0  }
0x20: {  	s14 =	rddreg [dreg:$0x7];
	[sflag:s18] =	ssyncadd.s32 $0xFFFFF830  }
0x21: {  	[spmem:s14] =	stream.linear.scatter [tilespmem:s17], [sflag:$0x4], $0x7D0, $0x38;
	[tilespmem:$0xD480] =	vst v63  }
0x22: {  	_ =	swait.ge [sflag:s18], $0x7D0  }
0x23: {  	[sflag:s18] =	ssyncset.done $0x0  }
0x24: {  	[sflag:s18] =	ssyncadd.s32 $0xFFFFF830  }
0x25: {  	[spmem:s15] =	stream.linear.scatter [tilespmem:s17], [sflag:$0x4], $0x7D0, $0x38;
	[tilespmem:$0xD480] =	vst v63  }
0x26: {  	_ =	swait.ge [sflag:s18], $0x7D0  }
0x27: {  	[sflag:s18] =	ssyncset.done $0x0  }
0x28: {  	[sflag:s18] =	ssyncadd.s32 $0xFFFFF830  }
0x29: {  	[spmem:s16] =	stream.linear.scatter [tilespmem:s17], [sflag:$0x4], $0x7D0, $0x38;
	[tilespmem:$0xD480] =	vst v63  }
0x2a: {  	_ =	swait.ge [sflag:s18], $0x7D0  }
0x2b: {  	[sflag:s18] =	ssyncset.done $0x0  }
0x2c: {  	[sflag:s18] =	ssyncadd.s32 $0xFFFFF830  }
0x2d: {  	s31 =	simm.s32 $0x0;
	[bflag:$0x0] =	sbarrier.arrive $0xFFFF  }
.LBB2_4:
0x2e: {  	s0 =	smul.u32 $0x50, s31;
	_ =	sdelay $0x1  }
0x2f: {  	s0 =	sadd.s32 s9, s0  }
0x30: {  	s10 =	sshrl.u32 s0, $0x3  }
0x31: {  	s12 =	sadd.s32 s4, s10  }
0x32: {  	[tilespmem:s30], [sflag:$0x4] =	stream.linear.gather [hbm4b:s12+s30], $0x50, $0x38;
	[tilespmem:$0xD480] =	vst v63  }
0x33: {  	_ =	swait.ge [sflag:s18], $0x50  }
0x34: {  	[sflag:s18] =	ssyncset.done $0x0  }
0x35: {  	s10 =	sadd.s32 s5, s10;
	[sflag:s18] =	ssyncadd.s32 $0xFFFFFFB0  }
0x36: {  	[tilespmem:s19], [sflag:$0x4] =	stream.linear.gather [hbm4b:s10+s30], $0x50, $0x38;
	[tilespmem:$0xD480] =	vst v63  }
0x37: {  	_ =	swait.ge [sflag:s18], $0x50  }
0x38: {  	[sflag:s18] =	ssyncset.done $0x0  }
0x39: {  	[sflag:s18] =	ssyncadd.s32 $0xFFFFFFB0  }
0x3a: {  	[tilespmem:s20], [sflag:$0x1] =	stream.indirect.gather [hbm4b:s6+s19], $0x80, s30, s19, $0xb8;
	[tilespmem:$0xD480] =	vst v63  }
0x3b: {  	s0 =	sshll.u32 s0, $0x4  }
0x3c: {  	[tilespmem:s21], [sflag:$0x2] =	stream.indirect.gather [hbm4b:s1+s19], $0x80, s19, s19, $0xb8;
	[tilespmem:$0xD480] =	vst v63  }
0x3d: {  	s14 =	sadd.s32 s7, s0  }
0x3e: {  	[tilespmem:s22], [sflag:$0x3] =	stream.linear.gather [hbm4b:s14+s30], $0x2800, $0x38;
	[tilespmem:$0xD480] =	vst v63  }
0x3f: {  	_ =	swait.ge [sflag:s23], $0x2800  }
0x40: {  	[sflag:s23] =	ssyncset.done $0x0  }
0x41: {  	[sflag:s23] =	ssyncadd.s32 $0xFFFFD800  }
0x42: {  	_ =	swait.ge [sflag:s24], $0x2800  }
0x43: {  	[sflag:s24] =	ssyncset.done $0x0  }
0x44: {  	[sflag:s24] =	ssyncadd.s32 $0xFFFFD800  }
0x45: {  	_ =	swait.ge [sflag:s25], $0x2800  }
0x46: {  	[sflag:s25] =	ssyncset.done $0x0  }
0x47: {  	s13 =	simm.s32 $0x0;
	[sflag:s25] =	ssyncadd.s32 $0xFFFFD800  }
0x48: {  	v9 =	vld [tilespmem:s13+$0xB0]  }
0x49: {  	v10 =	vld [tilespmem:s13+$0x28B0]  }
0x4a: {  	v11 =	vld [tilespmem:s13+$0xA0]  }
0x4b: {  	v12 =	vld [tilespmem:s13+$0x28A0]  }
0x4c: {  	v13 =	vld [tilespmem:s13+$0x28C0]  }
0x4d: {  	v14 =	vld [tilespmem:s13+$0x50B0]  }
0x4e: {  	v15 =	vld [tilespmem:s13+$0x50A0]  }
0x4f: {  	v16 =	vld [tilespmem:s13+$0xC0]  }
0x50: {  	v17 =	vld [tilespmem:s13+$0x28D0]  }
0x51: {  	v18 =	vld [tilespmem:s13+$0xD0]  }
0x52: {  	v19 =	vld [tilespmem:s13+$0x2900]  }
0x53: {  	v20 =	vld [tilespmem:s13+$0x50C0]  }
0x54: {  	v21 =	vld [tilespmem:s13+$0x28E0]  }
0x55: {  	v36 =	vld [tilespmem:s13+$0x50D0];
	v11 =	vmul.f32 v12, v11  }
0x56: {  	v22 =	vld [tilespmem:s13+$0xE0]  }
0x57: {  	v23 =	vld [tilespmem:s13+$0xF0];
	v9 =	vmul.f32 v10, v9;
	v10 =	vmul.f32 $2.500000000e-01, v11  }
0x58: {  	v37 =	vld [tilespmem:s13+$0x100]  }
0x59: {  	v38 =	vld [tilespmem:s13+$0x50E0];
	v13 =	vmul.f32 v13, v16;
	v9 =	vmul.f32 $2.500000000e-01, v9;
	v10 =	vadd.f32 v10, v15  }
0x5a: {  	v11 =	vld [tilespmem:s13+$0x28F0]  }
0x5b: {  	v40 =	vld [tilespmem:s13+$0x50F0];
	v39 =	vmul.f32 v17, v18;
	v13 =	vmul.f32 $2.500000000e-01, v13;
	v9 =	vadd.f32 v9, v14;
	(xrf2) =	vadd.scan.msk.f32 $0xffff, v10  }
0x5c: {  	v41 =	vld [tilespmem:s13+$0x5100]  }
0x5d: {  	v43 =	vld [tilespmem:s13+$0x2910];
	v42 =	vmul.f32 v21, v22;
	v13 =	vadd.f32 v13, v20;
	v14 =	vmul.f32 $2.500000000e-01, v39;
	(xrf2) =	vadd.scan.msk.f32 $0xffff, v9  }
0x5e: {  	v44 =	vld [tilespmem:s13+$0x110];
	v15 =	vmul.f32 v19, v37  }
0x5f: {  	v45 =	vmul.f32 $2.500000000e-01, v42;
	v12 =	vadd.f32 v14, v36;
	v11 =	vmul.f32 v11, v23;
	(xrf2) =	vadd.scan.msk.f32 $0xffff, v13  }
0x60: {  	v15 =	vmul.f32 $2.500000000e-01, v15  }
0x61: {  	v14 =	vadd.f32 v45, v38;
	(xrf2) =	vadd.scan.msk.f32 $0xffff, v12;
	v11 =	vmul.f32 $2.500000000e-01, v11  }
0x62: {  	v46 =	vld [tilespmem:s13+$0x5110];
	v15 =	vadd.f32 v15, v41  }
0x63: {  	v47 =	vmul.f32 v43, v44;
	(xrf2) =	vadd.scan.msk.f32 $0xffff, v14;
	v11 =	vadd.f32 v11, v40  }
0x64: {  	(xrf2) =	vadd.scan.msk.f32 $0xffff, v15  }
0x65: {  	v17 =	vmul.f32 $2.500000000e-01, v47;
	v48, _, _ =	vpop (xrf2);
	(xrf2) =	vadd.scan.msk.f32 $0xffff, v11  }
0x66: {  	v18 =	vbroadcast v48, $0xF  }
0x67: {  	v16 =	vadd.f32 v17, v46;
	v49, _, _ =	vpop (xrf2)  }
0x68: {  	v51 =	vbroadcast v49, $0xF;
	v50 =	vmul.f32 v1, v18  }
0x69: {  	(xrf2) =	vadd.scan.msk.f32 $0xffff, v16;
	v52, _, _ =	vpop (xrf2)  }
0x6a: {  	v19 =	vbroadcast v52, $0xF;
	v18 =	vmul.f32 v2, v51;
	v17 =	vadd.f32 $0.0e+00, v50  }
0x6b: {  	v53, _, _ =	vpop (xrf2)  }
0x6c: {  	v20 =	vbroadcast v53, $0xF;
	v54 =	vmul.f32 v3, v19;
	v17 =	vadd.f32 v18, v17  }
0x6d: {  	v55, _, _ =	vpop (xrf2)  }
0x6e: {  	v19 =	vbroadcast v55, $0xF;
	v57, _, _ =	vpop (xrf2);
	v56 =	vmul.f32 v4, v20;
	v17 =	vadd.f32 v54, v17  }
0x6f: {  	v58, _, _ =	vpop (xrf2)  }
0x70: {  	v59 =	vmul.f32 v5, v19;
	v17 =	vadd.f32 v56, v17;
	v60 =	vbroadcast v58, $0xF;
	_ =	sdelay $0x1  }
0x71: {  	v61 =	vbroadcast v57, $0xF;
	v17 =	vadd.f32 v59, v17;
	v19 =	vmul.f32 v6, v60  }
0x72: {  	v62, _, _ =	vpop (xrf2)  }
0x73: {  	v18 =	vmul.f32 v7, v61;
	v63 =	vbroadcast v62, $0xF;
	v17 =	vadd.f32 v19, v17  }
0x74: {  	[tilespmem:s13+$0x78B0] =	vst v9  }
0x75: {  	[tilespmem:s13+$0x78A0] =	vst v10;
	v9 =	vmul.f32 v8, v63;
	v10 =	vadd.f32 v18, v17  }
0x76: {  	[tilespmem:s13+$0x78C0] =	vst v13  }
0x77: {  	[tilespmem:s13+$0x7910] =	vst v16;
	v9 =	vadd.f32 v9, v10  }
0x78: {  	[tilespmem:s13+$0x78D0] =	vst v12  }
0x79: {  	[tilespmem:s13+$0x78E0] =	vst v14;
	v9 =	vmax.f32 v9, $-5.000000000e+00  }
0x7a: {  	[tilespmem:s13+$0x7900] =	vst v15;
	v9 =	vmin.f32 v9, $5.000000000e+00  }
0x7b: {  	s12 =	simm.s32 $0x200;
	s10 =	simm.s32 $0xA0A0;
	[tilespmem:s13+$0x78F0] =	vst v11;
	s13 =	simm.s32 $0xA0A0;
	v9 =	vmul.f32 $1.442695020e+00, v9  }
.LBB2_5:
0x7c: {  	p1 =	sne.s32 s12, $0x9E00  }
0x7d: {  	s10 =	sadd.s32 $0x10, s10;
	s14 =	smov.u32 s12;
	s12 =	sadd.s32 $0x200, s12  }
0x7e: {  	(erf) = vpow2.f32 v9;
	_ =	sdelay $0x8  }
0x7f: {  	v9 =	vpop (erf)  }
0x80: {  	s14 =	sshra.s32 s14, $0x2;
	[tilespmem:s13+$0x0] =	vst v9;
	s13 =	smov.u32 s10  }
0x81: {  	v9 =	vld [tilespmem:s14+$0xB0]  }
0x82: {  	v10 =	vld [tilespmem:s14+$0x28B0]  }
0x83: {  	v11 =	vld [tilespmem:s14+$0xA0]  }
0x84: {  	v12 =	vld [tilespmem:s14+$0x28A0];
	_ =	sdelay $0x1  }
0x85: {  	v13 =	vld [tilespmem:s14+$0x28C0]  }
0x86: {  	v14 =	vld [tilespmem:s14+$0x50B0]  }
0x87: {  	v9 =	vmul.f32 v10, v9;
	v15 =	vld [tilespmem:s14+$0x50A0]  }
0x88: {  	v10 =	vmul.f32 v12, v11;
	v11 =	vld [tilespmem:s14+$0xC0]  }
0x89: {  	v9 =	vmul.f32 $2.500000000e-01, v9;
	v12 =	vld [tilespmem:s14+$0x28D0]  }
0x8a: {  	v10 =	vmul.f32 $2.500000000e-01, v10;
	v16 =	vld [tilespmem:s14+$0xD0]  }
0x8b: {  	v9 =	vadd.f32 v9, v14;
	v14 =	vld [tilespmem:s14+$0x2900]  }
0x8c: {  	v10 =	vadd.f32 v10, v15;
	v15 =	vld [tilespmem:s14+$0x50C0]  }
0x8d: {  	[tilespmem:s14+$0x78B0] =	vst v9;
	v11 =	vmul.f32 v13, v11;
	v13 =	vld [tilespmem:s14+$0x28E0]  }
0x8e: {  	[tilespmem:s14+$0x78A0] =	vst v10;
	v17 =	vld [tilespmem:s14+$0x50D0];
	(xrf2) =	vadd.scan.msk.f32 $0xffff, v10  }
0x8f: {  	v10 =	vmul.f32 $2.500000000e-01, v11;
	v11 =	vmul.f32 v12, v16;
	v12 =	vld [tilespmem:s14+$0xE0]  }
0x90: {  	v16 =	vld [tilespmem:s14+$0x28F0]  }
0x91: {  	v10 =	vadd.f32 v10, v15;
	v11 =	vmul.f32 $2.500000000e-01, v11;
	v15 =	vld [tilespmem:s14+$0xF0];
	(xrf2) =	vadd.scan.msk.f32 $0xffff, v9  }
0x92: {  	v9 =	vld [tilespmem:s14+$0x100]  }
0x93: {  	[tilespmem:s14+$0x78C0] =	vst v10;
	v11 =	vadd.f32 v11, v17;
	v17 =	vld [tilespmem:s14+$0x50E0]  }
0x94: {  	v12 =	vmul.f32 v13, v12;
	(xrf2) =	vadd.scan.msk.f32 $0xffff, v10  }
0x95: {  	[tilespmem:s14+$0x78D0] =	vst v11;
	v10 =	vld [tilespmem:s14+$0x50F0]  }
0x96: {  	v12 =	vmul.f32 $2.500000000e-01, v12;
	v13 =	vmul.f32 v16, v15;
	v15 =	vld [tilespmem:s14+$0x5100]  }
0x97: {  	v9 =	vmul.f32 v14, v9;
	v14 =	vld [tilespmem:s14+$0x2910];
	(xrf2) =	vadd.scan.msk.f32 $0xffff, v11  }
0x98: {  	v17 =	vadd.f32 v12, v17;
	v12 =	vmul.f32 $2.500000000e-01, v13;
	v13 =	vld [tilespmem:s14+$0x110];
	v16, _, _ =	vpop (xrf2)  }
0x99: {  	v9 =	vmul.f32 $2.500000000e-01, v9  }
0x9a: {  	v16 =	vbroadcast v16, $0xF;
	[tilespmem:s14+$0x78E0] =	vst v17;
	v10 =	vadd.f32 v12, v10;
	(xrf2) =	vadd.scan.msk.f32 $0xffff, v17  }
0x9b: {  	v17 =	vadd.f32 v9, v15;
	v11, _, _ =	vpop (xrf2)  }
0x9c: {  	v12 =	vmul.f32 v1, v16;
	v11 =	vbroadcast v11, $0xF;
	[tilespmem:s14+$0x78F0] =	vst v10;
	v15 =	vld [tilespmem:s14+$0x5110]  }
0x9d: {  	[tilespmem:s14+$0x7900] =	vst v17;
	v13 =	vmul.f32 v14, v13;
	(xrf2) =	vadd.scan.msk.f32 $0xffff, v17  }
0x9e: {  	v9, _, _ =	vpop (xrf2)  }
0x9f: {  	v11 =	vmul.f32 v2, v11;
	v14 =	vmul.f32 $2.500000000e-01, v13  }
0xa0: {  	(xrf2) =	vadd.scan.msk.f32 $0xffff, v10  }
0xa1: {  	v9 =	vbroadcast v9, $0xF;
	v10 =	vadd.f32 $0.0e+00, v12;
	v12 =	vadd.f32 v14, v15;
	v13, _, _ =	vpop (xrf2)  }
0xa2: {  	v13 =	vbroadcast v13, $0xF  }
0xa3: {  	v9 =	vmul.f32 v3, v9;
	v10 =	vadd.f32 v11, v10;
	[tilespmem:s14+$0x7910] =	vst v12;
	(xrf2) =	vadd.scan.msk.f32 $0xffff, v12  }
0xa4: {  	v11, _, _ =	vpop (xrf2)  }
0xa5: {  	v9 =	vadd.f32 v9, v10;
	v10 =	vmul.f32 v4, v13;
	v12 =	vbroadcast v11, $0xF;
	_ =	sdelay $0x1  }
0xa6: {  	v9 =	vadd.f32 v10, v9;
	v10 =	vmul.f32 v5, v12;
	v11, _, _ =	vpop (xrf2);
	_ =	sdelay $0x1  }
0xa7: {  	v9 =	vadd.f32 v10, v9  }
0xa8: {  	v10 =	vbroadcast v11, $0xF;
	v11, _, _ =	vpop (xrf2)  }
0xa9: {  	v11 =	vbroadcast v11, $0xF;
	_ =	sdelay $0x1  }
0xaa: {  	v11 =	vmul.f32 v6, v11;
	v12, _, _ =	vpop (xrf2)  }
0xab: {  	v10 =	vmul.f32 v7, v10;
	v12 =	vbroadcast v12, $0xF  }
0xac: {  	v9 =	vadd.f32 v11, v9  }
0xad: {  	v11 =	vmul.f32 v8, v12  }
0xae: {  	v9 =	vadd.f32 v10, v9;
	_ =	sdelay $0x1  }
.Ltmp1:
0xaf: {  	v9 =	vadd.f32 v11, v9;
	(pc) =	sbr.rel @p1 .LBB2_5-.Ltmp1, $4  }
0xb0: {  	_ = 	snop  }
0xb1: {  	v9 =	vmax.f32 v9, $-5.000000000e+00  }
0xb2: {  	v9 =	vmin.f32 v9, $5.000000000e+00  }
0xb3: {  	v9 =	vmul.f32 $1.442695020e+00, v9  }
0xb4: {  	_ = 	snop  }
0xb5: {  	(erf) = vpow2.f32 v9;
	_ =	sdelay $0x8  }
0xb6: {  	v9 =	vpop (erf)  }
0xb7: {  	s0 =	sadd.s32 s8, s0;
	[tilespmem:s13+$0x0] =	vst v9  }
0xb8: {  	[hbm4b:s0+s3] =	stream.linear.scatter [tilespmem:s26], [sflag:$0x4], $0x2800, $0x38;
	[tilespmem:$0xD480] =	vst v63  }
0xb9: {  	s31 =	sadd.s32 $0x1, s31;
	_ =	swait.ge [sflag:s18], $0x2800  }
0xba: {  	p1 =	sne.s32 s31, $0x7D;
	[sflag:s18] =	ssyncset.done $0x0  }
.Ltmp2:
0xbb: {  	[sflag:s18] =	ssyncadd.s32 $0xFFFFD800;
	(pc) =	sbr.rel @p1 .LBB2_4-.Ltmp2, $4  }
0xbc: {  	[spmem:s2] =	stream.indirect.scatter.add.f32 [tilespmem:s28], [sflag:$0x4], $0x10, s3, s19, $0xb8;
	[tilespmem:$0xD480] =	vst v63  }
0xbd: {  	_ =	swait.ge [sflag:s18], $0x500  }
0xbe: {  	[sflag:s18] =	ssyncset.done $0x0  }
0xbf: {  	[sflag:s18] =	ssyncadd.s32 $0xFFFFFB00  }
0xc0: {  	[bflag:$0x0] =	sbarrier.arrive $0xFFFF  }
0xc1: {  	s0 =	sshrl.u32 @!p0 s2, $0x3;
	s10 =	simm.s32 @!p0 $0x1C04;
	s12 =	rddreg [dreg:$0x4]  }
0xc2: {  	[hbm:s12], [sflag:s10] =	dma.local @!p0 [spmem:s0], $0x4E20  }
0xc3: {  	s0 =	simm.s32 @!p0 $0x4  }
0xc4: {  	_ =	swait.ge @!p0 [sflag:s0], $0x4E20  }
0xc5: {  	s29 =	sadd.s32 $0x1, s29;
	s31 =	rddreg [dreg:$0x5]  }
0xc6: {  	p1 =	sne.s32 s29, s31  }
.Ltmp3:
0xc7: {  	_ = 	snop;
	(pc) =	sbr.rel @p1 .LBB2_1-.Ltmp3, $3  }
0xc8: {  	_ =	sdelay $0x1  }
0xc9: {  	[sflag:s0] =	ssyncset.done @!p0 $0x0  }
0xca: {  	[sflag:s0] =	ssyncadd.s32 @!p0 $0xFFFFB1E0  }
0xcb: {  	_ =	sfence.sel $0x180000  }
0xcc: {  	[bflag:$0x0] =	sbarrier.arrive $0xFFFF  }
0xcd: {  	_ =	strace $0x90000047  }
0xce: {  	[bflag:$0x2] =	sbarrier.arrive $0xFFFF  }
0xcf: {  	s0 =	rddreg [dreg:$0x3]  }
0xd0: {  	s0 =	sadd.s32 @!p0 $0x100000, s0  }
0xd1: {  	[sflag:s0] =	ssyncadd.tile.s32 @!p0 $0x1;
	_ =	shalt  }
.Lfunc_end2:
_tile_overlayer_lowered:
.L_overlay_start_2:
0xd2: {  	(tag) =	ssettag $0x2  }
0xd3: {  	s0 =	rddreg [dreg:$0x0];
	s2 =	stileid.u32  }
0xd4: {  	s1 =	rddreg [dreg:$0x1];
	p0 =	sne.s32 s2, $0x0  }
0xd5: {  	s3 =	rddreg [dreg:$0x2];
	[bflag:$0x3] =	sbarrier.arrive $0xFFFF;
	s2 =	simm.s32 @!p0 $0x1C04  }
0xd6: {  	[timem:s3], [sflag:s2] =	dma.local @!p0 [hbm:s0], s1  }
0xd7: {  	s0 =	simm.s32 @!p0 $0x4  }
0xd8: {  	_ =	swait.ge @!p0 [sflag:s0], s1  }
0xd9: {  	s1 =	ssub.s32 @!p0 $0x0, s1;
	[sflag:s0] =	ssyncset.done @!p0 $0x0  }
0xda: {  	[sflag:s0] =	ssyncadd.s32 @!p0 s1  }
0xdb: {  	[bflag:$0x3] =	sbarrier.arrive $0xFFFF  }
0xdc: {  	_ =	shalt  }

// kernel: sparse-core-data-format-call.cloned.1.call-start
scs
called_computation_lowered:
.L_overlay_start_0:
0x0: {  	s2 =	sld [smem:$0x3FD9]  }
0x1: {  	s3 =	sld [smem:$0x3FFE];
	_ =	sdelay $0x1  }
0x2: {  	s1 =	srdreg.scid  }
0x3: {  	s0 =	sand.u32 $0x1, s1  }
0x4: {  	s15 =	sshll.u32 s0, $0xA;
	s2 =	sadd.s32 s3, s2  }
0x5: {  	s2 =	sadd.s32 s2, s15  }
0x6: {  	[smem:$0x3FBD] =	sst s2  }
0x7: {  	_ = 	snop  }
0x8: {  	s2 =	sld [smem:$0x3FD0];
	_ =	sdelay $0x2  }
0x9: {  	s16 =	simm.s32 $0xA;
	s4 =	simm.s32 $0x10  }
0xa: {  	[smem:s4], [sflag:s16] =	dma.local [hbm:s2], $0x1  }
0xb: {  	_ =	swait.eq [sflag:s16], $0x1  }
0xc: {  	[sflag:s16] =	ssyncset.done $0x0  }
0xd: {  	[sflag:s16] =	ssyncadd.s32 $0xFFFFFFFF  }
0xe: {  	s17 =	sld [smem:$0x11];
	(tm) =	ssettm $0x1  }
0xf: {  	s18 =	sld [smem:$0x3FFB];
	_ =	sdelay $0x3  }
0x10: {  	_ =	strace s18  }
0x11: {  	s3 =	sld [smem:$0x3FFC];
	_ =	sdelay $0x3  }
0x12: {  	_ =	strace s3  }
0x13: {  	s3 =	sld [smem:$0x3FFD];
	_ =	sdelay $0x3  }
0x14: {  	_ =	strace s3  }
0x15: {  	_ =	strace $0x8FFFFFFF  }
0x16: {  	s19 =	sld [smem:$0x3FDB];
	_ =	sdelay $0x1  }
0x17: {  	s20 =	simm.s32 $_scs_section_size  }
0x18: {  	s5 =	simm.s32 $_size__tile_overlayer_lowered;
	s6 =	simm.s32 $_tile_overlayer_lowered  }
0x19: {  	s23 =	simm.s32 $0x1BFF;
	s22 =	sshll.u32 s6, $0x1;
	s3 =	sadd.s32 s20, s19  }
0x1a: {  	s7 =	simm.s32 $0x0;
	s21 =	sshll.u32 s5, $0x1;
	s5 =	sadd.s32 s22, s3  }
0x1b: {  	[timem:s7], [sflag:s23] =	dma.local [hbm:s5], s21  }
0x1c: {  	_ =	swait.ge [sflag:s23], s21  }
0x1d: {  	s4 =	ssub.s32 $0x0, s21;
	[sflag:s23] =	ssyncset.done $0x0  }
0x1e: {  	[sflag:s23] =	ssyncadd.s32 s4;
	_ =	sdelay $0x1  }
0x1f: {  	s24 =	simm.s32 $0x1B8B  }
0x20: {  	_ =	swait.ge [sflag:s24], $0x1  }
0x21: {  	[sflag:s24] =	ssyncset.done $0x0  }
0x22: {  	s26 =	simm.s32 $0x1B8E;
	s25 =	sld [smem:$0x3FFE];
	[sflag:s24] =	ssyncadd.s32 $0xFFFFFFFF  }
0x23: {  	s27 =	simm.s32 $execute0_lowered;
	[smem:$0x3FD2] =	sst s26  }
0x24: {  	s5 =	sshll.u32 s27, $0x1;
	_ =	strace $0x80000049;
	[dreg:$0x1] =	wrdreg $0xFFFFFFFF  }
0x25: {  	s28 =	simm.s32 $_size_execute0_lowered;
	s3 =	sadd.s32 s3, s5;
	[dreg:$0x0] =	wrdreg $0x0  }
0x26: {  	s5 =	sshll.u32 s28, $0x1;
	[dreg:$0x2] =	wrdreg s3  }
0x27: {  	[dreg:$0x3] =	wrdreg s5  }
0x28: {  	[dreg:$0x4] =	wrdreg $0xC0  }
0x29: {  	_ =	task [dreg:s7], $0x5FFFF  }
0x2a: {  	[dreg:$0x1] =	wrdreg $0xFFFFFFFF  }
0x2b: {  	[dreg:$0x0] =	wrdreg $0x60  }
0x2c: {  	[dreg:$0x2] =	wrdreg s25  }
0x2d: {  	[dreg:$0x3] =	wrdreg s17  }
0x2e: {  	[dreg:$0x4] =	wrdreg $0x9  }
0x2f: {  	_ =	task.clear_ibuf [dreg:s7], $0x5FFFF;
	_ =	strace $0x90000049  }
0x30: {  	s29 =	simm.s32 $0x9;
	_ =	strace $0x8000004B  }
0x31: {  	_ =	swait.ge [sflag:s29], $0x1  }
0x32: {  	[sflag:s29] =	ssyncadd.s32 $0xFFFFFFFF  }
0x33: {  	_ =	strace $0x9000004B  }
0x34: {  	_ =	sfence  }
0x35: {  	s30 =	sld [smem:$0x0];
	_ =	sdelay $0x2  }
0x36: {  	s31 =	sshll.u32 s1, $0xD;
	s1 =	sshrl.u32 s1, $0x2  }
0x37: {  	s3 =	sand.u32 $0x4000, s31;
	s1 =	sadd.s32 s1, s30  }
0x38: {  	s0 =	sor.u32 s3, s0;
	s1 =	sshll.u32 s1, $0x11  }
0x39: {  	s0 =	sor.u32 s1, s0  }
0x3a: {  	s0 =	sadd.s32 $0x8F2B, s0  }
0x3b: {  	[sflag:s0] =	ssyncadd.remote.s32 $0x1  }
0x3c: {  	_ =	sfence.sel $0xFFFF  }
0x3d: {  	[dreg:$0x0] =	wrdreg $0xFFFFFFFF;
	(pc) =	sbr.abs _section_cstart, $3  }
0x3e: {  	[dreg:$0x1] =	wrdreg $0xFFFFFFFF  }
0x3f: {  	_ =	task.clear_ibuf [dreg:s7], $0x2FFFF;
	_ =	strace $0x9FFFFFFF  }
0x40: {  	(tm) =	ssettm $0x7FFFFFFF  }
0x41: {  	_ =	shalt  }
tec
execute0_lowered:
.L_overlay_start_1:
0x0: {  	(tag) =	ssettag $0x1  }
0x1: {  	s0 =	srdreg.scid  }
0x2: {  	s1 =	sshll.u32 s0, $0x4  }
0x3: {  	s4 =	rddreg [dreg:$0x0];
	s0 =	stileid.u32;
	s1 =	sand.u32 $0x10, s1  }
0x4: {  	s2 =	rddreg [dreg:$0x1];
	s7 =	simm.s32 $0x1;
	s1 =	sor.u32 s0, s1  }
0x5: {  	s8 =	simm.s32 $0x2;
	s11 =	simm.s32 $0x0;
	s3 =	sshll.u32 s1, $0x7  }
0x6: {  	s10 =	simm.s32 $0x0;
	s4 =	sadd.s32 $0x54F800, s4;
	s6 =	ssub.s32 $0x4E200, s3  }
.Ltmp0:
0x7: {  	s1 =	rddreg [dreg:$0x2];
	s5 =	sand.u32 $0xF80, s6;
	(pc) =	sbr.rel .LBB1_1-.Ltmp0, $4  }
0x8: {  	_ =	strace $0x8000004A;
	s9 =	smov.u32 s3;
	p0 =	sne.s32 s5, $0x0  }
0x9: {  	s6 =	sshrl.u32 s6, $0xC;
	s5 =	simm.s32 $0x1;
	s7 =	simm.s32 @!p0 $0x0  }
0xa: {  	[sflag:s5] =	ssyncpa.u1 $0x0;
	p0 =	por $0x0, $0x0;
	s6 =	sadd.s32 s7, s6  }
0xb: {  	[sflag:s8] =	ssyncpa.u1 $0x0;
	s8 =	simm.s32 $0x271000;
	s7 =	sadd.s32 $0x1, s6  }
.LBB1_4:
0xc: {  	v5 =	vld [tilespmem:s15+$0xFFFFFFD0];
	[tilespmem:s14+$0x2040 ss:$0x81] =	vst.msk $0xffff, v3;
	s17 =	sshll.u32 s11, $0x3  }
0xd: {  	v58 =	vld [tilespmem:s15+$0xFFFFFFE0];
	[tilespmem:s14+$0x2850 ss:$0x81] =	vst.msk $0xffff, v4;
	s25 =	sand.u32 $0x7F, s11;
	s17 =	sand.u32 $0xFFFFFC00, s17  }
0xe: {  	s16 =	sshra.s32 s16, $0x2;
	v59 =	vld [tilespmem:s15+$0xFFFFFFF0];
	[tilespmem:s14+$0x3060 ss:$0x81] =	vst.msk $0xffff, v2;
	s11 =	sor.u32 s25, s17  }
0xf: {  	v60 =	vld [tilespmem:s15+$0x0];
	[tilespmem:s14+$0x0 ss:$0x81] =	vst.msk $0xffff, v0;
	s13 =	sadd.s32 s16, s13;
	s26 =	smulhi.u32 $0xD1B71759, s11  }
0x10: {  	v61 =	vld [tilespmem:s15+$0x10];
	[tilespmem:s13+$0x3870 ss:$0x81] =	vst.msk $0xffff, v1  }
0x11: {  	v62 =	vld [tilespmem:s15+$0x20];
	s27 =	smulhi.u32 $0xD1B71759, s17;
	[tilespmem:s13+$0x810 ss:$0x81] =	vst.msk $0xffff, v5;
	s14 =	sshrl.u32 s26, $0x12  }
0x12: {  	v63 =	vld [tilespmem:s15+$0xFFFFFFC0];
	[tilespmem:s13+$0x1020 ss:$0x81] =	vst.msk $0xffff, v58;
	s14 =	smul.u32 $0x4E200, s14  }
0x13: {  	s28 =	sshrl.u32 s27, $0x12;
	[tilespmem:s13+$0x1830 ss:$0x81] =	vst.msk $0xffff, v59  }
0x14: {  	[tilespmem:s13+$0x2040 ss:$0x81] =	vst.msk $0xffff, v60;
	s29 =	sand.u32 $0x7F, s28;
	s11 =	ssub.s32 s11, s14  }
0x15: {  	[tilespmem:s13+$0x2850 ss:$0x81] =	vst.msk $0xffff, v61;
	s14 =	smul.u32 $0x9C40, s29;
	s30 =	sshrl.u32 s11, $0x3;
	s11 =	sand.u32 $0x7, s11  }
0x16: {  	[tilespmem:s13+$0x3060 ss:$0x81] =	vst.msk $0xffff, v62;
	s15 =	sadd.s32 s2, s30;
	s11 =	sshll.u32 s11, $0x12  }
0x17: {  	[tilespmem:s13+$0x0 ss:$0x81] =	vst.msk $0xffff, v63;
	s31 =	sadd.s32 s14, s15;
	s11 =	sor.u32 $0x400, s11  }
0x18: {  	[hbm4b:s31+s11] =	stream.strided.scatter [tilespmem:s12], [sflag:$0x2], $0x4000, s8, s11, $0x20;
	[tilespmem:$0x10100] =	vst v63  }
.LBB1_5:
0x19: {  	s13 =	sadd.s32 $0x1000, s9  }
0x1a: {  	p2 =	sgt.s32 s13, $0x4E1FF  }
0x1b: {  	s13 =	smov.u32 @p2 s3;
	p2 =	sne.s32 s10, s7  }
.Ltmp1:
0x1c: {  	p1 =	slt.u32 s10, $0x2;
	(pc) =	sbr.rel @!p2 .LBB1_6-.Ltmp1, $4  }
0x1d: {  	s12 =	simm.s32 @!p1 $0x2  }
0x1e: {  	s14 =	sadd.s32 $0x1, s10;
	_ =	swait.ge @!p1 [sflag:s12], $0x4000  }
0x1f: {  	s11 =	smov.u32 s9;
	p0 =	por !p0, !p0;
	[sflag:s12] =	ssyncset.done @!p1 $0x0  }
0x20: {  	s10 =	smov.u32 s14;
	s9 =	smov.u32 s13;
	[sflag:s12] =	ssyncadd.s32 @!p1 $0xFFFFC000  }
.LBB1_1:
0x21: {  	p1 =	sge.u32 s10, s6  }
0x22: {  	s12 =	sand.u32 @!p1 $0x1FFFFFF, s9  }
0x23: {  	s13 =	smulhi.u32 @!p1 $0x1A36E2F, s12;
	_ =	sdelay $0x1  }
0x24: {  	s13 =	sshrl.u32 @!p1 s13, $0xB  }
0x25: {  	s13 =	smul.u32 @!p1 $0x4E200, s13;
	_ =	sdelay $0x1  }
0x26: {  	s14 =	sxor.u32 @!p1 $0xFFFFFFFF, s10;
	s12 =	ssub.s32 @!p1 s12, s13  }
0x27: {  	s31 =	sadd.s32 $0xFFFFFFFF, s10;
	s13 =	sshll.u32 @!p1 s14, $0xE;
	s12 =	sshll.u32 @!p1 s12, $0x4  }
0x28: {  	s14 =	simm.s32 @!p1 $0x0;
	s13 =	sand.u32 @!p1 $0x4000, s13;
	s12 =	sadd.s32 @!p1 s4, s12  }
0x29: {  	[tilespmem:s13], [sflag:$0x1] =	stream.linear.gather @!p1 [hbm4b:s12+s14], $0x4000, $0x38;
	[tilespmem:$0x10100] =	vst v63  }
0x2a: {  	p1 =	sge.u32 s31, s6  }
.Ltmp2:
0x2b: {  	_ = 	snop;
	(pc) =	sbr.rel @p1 .LBB1_5-.Ltmp2, $1  }
0x2c: {  	_ =	sdelay $0x3  }
0x2d: {  	s12 =	simm.s32 $0x1  }
0x2e: {  	_ =	swait.ge [sflag:s5], $0x4000;
	s12 =	simm.s32 @!p0 $0x0  }
0x2f: {  	[sflag:s5] =	ssyncset.done $0x0;
	s13 =	sshll.u32 s12, $0xE  }
0x30: {  	[sflag:s5] =	ssyncadd.s32 $0xFFFFC000;
	s15 =	sor.u32 $0x40, s13  }
0x31: {  	s12 =	smul.u32 $0x10200, s12;
	v0 =	vld [tilespmem:s15+$0x30]  }
0x32: {  	v1 =	vld [tilespmem:s15+$0xFFFFFFD0]  }
0x33: {  	s12 =	sshrl.u32 s12, $0x2;
	v5 =	vld [tilespmem:s15+$0xFFFFFFE0]  }
0x34: {  	v6 =	vld [tilespmem:s15+$0xFFFFFFF0];
	s13 =	sor.u32 $0x8000, s12  }
0x35: {  	s31 =	sand.u32 $0x1, s10;
	v3 =	vld [tilespmem:s15+$0x0];
	s14 =	sadd.s32 $0x0, s13  }
0x36: {  	v4 =	vld [tilespmem:s15+$0x10];
	s12 =	smul.u32 $0x10200, s31;
	[tilespmem:s14+$0x3870 ss:$0x81] =	vst.msk $0xffff, v0  }
0x37: {  	v2 =	vld [tilespmem:s15+$0x20];
	[tilespmem:s14+$0x810 ss:$0x81] =	vst.msk $0xffff, v1  }
0x38: {  	s12 =	sshrl.u32 s12, $0x2;
	v0 =	vld [tilespmem:s15+$0xFFFFFFC0];
	[tilespmem:s14+$0x1020 ss:$0x81] =	vst.msk $0xffff, v5;
	s15 =	sadd.s32 $0x80, s15  }
0x39: {  	s16 =	simm.s32 $0x4;
	s17 =	simm.s32 $0x8;
	s12 =	sor.u32 $0x8000, s12;
	[tilespmem:s14+$0x1830 ss:$0x81] =	vst.msk $0xffff, v6;
	v1 =	vld [tilespmem:s15+$0x30]  }
.LBB1_3:
0x3a: {  	p1 =	sne.s32 s17, $0x1FC;
	v5 =	vld [tilespmem:s15+$0xFFFFFFD0];
	[tilespmem:s14+$0x2040 ss:$0x81] =	vst.msk $0xffff, v3  }
0x3b: {  	v6 =	vld [tilespmem:s15+$0xFFFFFFE0];
	[tilespmem:s14+$0x2850 ss:$0x81] =	vst.msk $0xffff, v4  }
0x3c: {  	s18 =	sshra.s32 s16, $0x2;
	s16 =	smov.u32 s17;
	v7 =	vld [tilespmem:s15+$0xFFFFFFF0];
	[tilespmem:s14+$0x3060 ss:$0x81] =	vst.msk $0xffff, v2  }
.Ltmp3:
0x3d: {  	v3 =	vld [tilespmem:s15+$0x0];
	[tilespmem:s14+$0x0 ss:$0x81] =	vst.msk $0xffff, v0;
	s14 =	sadd.s32 s18, s13;
	(pc) =	sbr.rel @p1 .LBB1_3-.Ltmp3, $4  }
0x3e: {  	v4 =	vld [tilespmem:s15+$0x10];
	[tilespmem:s14+$0x3870 ss:$0x81] =	vst.msk $0xffff, v1  }
0x3f: {  	[tilespmem:s14+$0x810 ss:$0x81] =	vst.msk $0xffff, v5;
	v2 =	vld [tilespmem:s15+$0x20]  }
0x40: {  	v0 =	vld [tilespmem:s15+$0xFFFFFFC0];
	[tilespmem:s14+$0x1020 ss:$0x81] =	vst.msk $0xffff, v6;
	s15 =	sadd.s32 $0x80, s15  }
0x41: {  	s17 =	sadd.s32 $0x4, s17;
	v1 =	vld [tilespmem:s15+$0x30];
	[tilespmem:s14+$0x1830 ss:$0x81] =	vst.msk $0xffff, v7  }
.Ltmp4:
0x42: {  	_ = 	snop;
	(pc) =	sbr.rel .LBB1_4-.Ltmp4, $1  }
0x43: {  	_ =	sdelay $0x3  }
.LBB1_6:
0x44: {  	_ =	sfence.sel $0x180000  }
0x45: {  	s2 =	simm.s32 $0x1;
	[bflag:$0x0] =	sbarrier.arrive $0xFFFF  }
0x46: {  	s31 =	simm.s32 $0x2;
	[sflag:s2] =	ssyncpa.u1 $0x1  }
0x47: {  	[sflag:s31] =	ssyncpa.u1 $0x1  }
0x48: {  	p0 =	sne.s32 s0, $0x0;
	_ =	strace $0x9000004A  }
0x49: {  	s0 =	sadd.s32 @!p0 $0x100000, s1;
	[bflag:$0x2] =	sbarrier.arrive $0xFFFF  }
0x4a: {  	[sflag:s0] =	ssyncadd.tile.s32 @!p0 $0x1;
	_ =	shalt  }
.Lfunc_end1:
_tile_overlayer_lowered:
.L_overlay_start_2:
0x4b: {  	(tag) =	ssettag $0x2  }
0x4c: {  	s0 =	rddreg [dreg:$0x0];
	s2 =	stileid.u32  }
0x4d: {  	s1 =	rddreg [dreg:$0x1];
	p0 =	sne.s32 s2, $0x0  }
0x4e: {  	s3 =	rddreg [dreg:$0x2];
	[bflag:$0x3] =	sbarrier.arrive $0xFFFF;
	s2 =	simm.s32 @!p0 $0x1C01  }
0x4f: {  	[timem:s3], [sflag:s2] =	dma.local @!p0 [hbm:s0], s1  }
0x50: {  	s0 =	simm.s32 @!p0 $0x1  }
0x51: {  	_ =	swait.ge @!p0 [sflag:s0], s1  }
0x52: {  	s1 =	ssub.s32 @!p0 $0x0, s1;
	[sflag:s0] =	ssyncset.done @!p0 $0x0  }
0x53: {  	[sflag:s0] =	ssyncadd.s32 @!p0 s1  }
0x54: {  	[bflag:$0x3] =	sbarrier.arrive $0xFFFF  }
0x55: {  	_ =	shalt  }

</sc_bundles>
